<compile_context>
chip_gen: v7x
topology: tpu7x:2x2x1
jax: 0.10.2.dev20260603
libtpu: 0.0.44.dev20260713+nightly
codegen_flags: <defaults>
</compile_context>

<pallas_src>
import functools

import jax
import jax.numpy as jnp
from jax import lax
from jax.experimental import pallas as pl
from jax.experimental.pallas import tpu as pltpu
from jax.experimental.pallas import tpu_sc as plsc

B = 16384
D = 64
L = 16
NCHUNK_D = D // L

_info = plsc.get_sparse_core_info()
NC = _info.num_cores
NS = _info.num_subcores
NW = NC * NS
BPW = B // NW
CH = 128
NCH = BPW // CH


_GATHER_DNUMS = lax.GatherDimensionNumbers(
    offset_dims=(), collapsed_slice_dims=(0,), start_index_map=(0,))


def _lane_perm(x, idx):
    return lax.gather(x, idx[:, None], _GATHER_DNUMS, (1,),
                      mode=lax.GatherScatterMode.PROMISE_IN_BOUNDS)


def _allsum(x):
    lanes = lax.iota(jnp.int32, L)
    for sh in (8, 4, 2, 1):
        x = x + _lane_perm(x, lanes ^ sh)
    return x


def _rsqrt(x):
    i = lax.bitcast_convert_type(x, jnp.int32)
    i = jnp.int32(0x5F3759DF) - lax.shift_right_arithmetic(i, 1)
    y = lax.bitcast_convert_type(i, jnp.float32)
    for _ in range(2):
        y = y * (jnp.float32(1.5) - jnp.float32(0.5) * x * y * y)
    return y


def _body(head_hbm, tail_hbm, rela_hbm, ent_hbm, rel_hbm, out_hbm,
          hidx, tidx, ridx, hrow, trow, rrow, outv, sem):
    wid = lax.axis_index("s") * NC + lax.axis_index("c")
    base = wid * BPW

    pltpu.sync_copy(head_hbm.at[wid], hidx)
    pltpu.sync_copy(tail_hbm.at[wid], tidx)
    pltpu.sync_copy(rela_hbm.at[wid], ridx)

    copies = []
    for c in range(NCH):
        sl = pl.ds(c * CH, CH)
        copies.append(pltpu.async_copy(ent_hbm.at[hidx.at[c]], hrow.at[sl], sem))
        copies.append(pltpu.async_copy(ent_hbm.at[tidx.at[c]], trow.at[sl], sem))
        copies.append(pltpu.async_copy(rel_hbm.at[ridx.at[c]], rrow.at[sl], sem))
    for cp in copies:
        cp.wait()

    lane0 = lax.iota(jnp.int32, L) == 0

    def item(i, carry):
        h = [hrow[i, pl.ds(k * L, L)] for k in range(NCHUNK_D)]
        t = [trow[i, pl.ds(k * L, L)] for k in range(NCHUNK_D)]
        r = [rrow[i, pl.ds(k * L, L)] for k in range(NCHUNK_D)]
        hs = h[0] * h[0]
        ts = t[0] * t[0]
        for k in range(1, NCHUNK_D):
            hs = hs + h[k] * h[k]
            ts = ts + t[k] * t[k]
        ss_h = _allsum(hs)
        ss_t = _allsum(ts)
        rh = _rsqrt(jnp.maximum(ss_h, jnp.float32(1e-24)))
        rt = _rsqrt(jnp.maximum(ss_t, jnp.float32(1e-24)))
        d0 = t[0] * rt - h[0] * rh - r[0]
        acc = d0 * d0
        for k in range(1, NCHUNK_D):
            dk = t[k] * rt - h[k] * rh - r[k]
            acc = acc + dk * dk
        s = _allsum(acc)
        out_i = s * _rsqrt(jnp.maximum(s, jnp.float32(1e-30)))
        plsc.store_scatter(outv, [jnp.full((L,), i, jnp.int32)],
                           out_i, mask=lane0)
        return carry

    lax.fori_loop(0, BPW, item, jnp.int32(0), unroll=4)

    pltpu.sync_copy(outv, out_hbm.at[pl.ds(base, BPW)])


@jax.jit
def _run(head3, tail3, rela3, ent_emb, rela_emb):
    mesh = plsc.VectorSubcoreMesh(core_axis_name="c", subcore_axis_name="s")
    f = functools.partial(
        pl.kernel,
        mesh=mesh,
        compiler_params=pltpu.CompilerParams(
            needs_layout_passes=False, use_tc_tiling_on_sc=False),
        out_type=jax.ShapeDtypeStruct((B,), jnp.float32),
        scratch_types=[
            pltpu.VMEM((NCH, CH), jnp.int32),
            pltpu.VMEM((NCH, CH), jnp.int32),
            pltpu.VMEM((NCH, CH), jnp.int32),
            pltpu.VMEM((BPW, D), jnp.float32),
            pltpu.VMEM((BPW, D), jnp.float32),
            pltpu.VMEM((BPW, D), jnp.float32),
            pltpu.VMEM((BPW,), jnp.float32),
            pltpu.SemaphoreType.DMA,
        ],
    )(_body)
    return f(head3, tail3, rela3, ent_emb, rela_emb)


def kernel(head, tail, rela, ent_emb, rela_emb):
    shape = head.shape
    head3 = head.reshape(NW, NCH, CH).astype(jnp.int32)
    tail3 = tail.reshape(NW, NCH, CH).astype(jnp.int32)
    rela3 = rela.reshape(NW, NCH, CH).astype(jnp.int32)
    out = _run(head3, tail3, rela3, ent_emb, rela_emb)
    return out.reshape(shape)

# --- scband reference (transcript-rebuilt; emitter-appended) ---
"""Pipeline reference for scband-trans-emodule-8040178778781 (READ-ONLY COPY).

The authoritative reference and input builder live on the scoring server;
editing this copy changes nothing except your own understanding.
"""

import jax, jax.numpy as jnp
import numpy as np

N_ENT = 1000000
N_RELA = 1000
HID = 64
BATCH = 16384


def setup_inputs(seed: int = 0) -> dict:
    key = jax.random.key(seed)
    k1, k2, k3, k4, k5 = jax.random.split(key, 5)
    head = jax.random.randint(k1, (BATCH,), 0, N_ENT, dtype=jnp.int64) if jax.config.jax_enable_x64 else jax.random.randint(k1, (BATCH,), 0, N_ENT).astype(jnp.int32)
    tail = jax.random.randint(k2, (BATCH,), 0, N_ENT).astype(head.dtype)
    rela = jax.random.randint(k3, (BATCH,), 0, N_RELA).astype(head.dtype)
    # xavier_uniform init for embedding tables (fan_in=rows, fan_out=cols)
    bound_e = float(np.sqrt(6.0 / (N_ENT + HID)))
    bound_r = float(np.sqrt(6.0 / (N_RELA + HID)))
    ent_emb = jax.random.uniform(k4, (N_ENT, HID), minval=-bound_e, maxval=bound_e, dtype=jnp.float32)
    rela_emb = jax.random.uniform(k5, (N_RELA, HID), minval=-bound_r, maxval=bound_r, dtype=jnp.float32)
    return {"head": head, "tail": tail, "rela": rela, "ent_emb": ent_emb, "rela_emb": rela_emb}


def _l2_normalize(x, eps=1e-12):
    n = jnp.sqrt(jnp.sum(x * x, axis=-1, keepdims=True))
    return x / jnp.maximum(n, eps)


def reference(head, tail, rela, ent_emb, rela_emb):
    shape = head.shape
    head = head.reshape(-1)
    tail = tail.reshape(-1)
    rela = rela.reshape(-1)
    head_embed = _l2_normalize(jnp.take(ent_emb, head, axis=0))
    tail_embed = _l2_normalize(jnp.take(ent_emb, tail, axis=0))
    rela_embed = jnp.take(rela_emb, rela, axis=0)
    diff = tail_embed - head_embed - rela_embed
    # p = 2 norm
    out = jnp.sqrt(jnp.sum(diff * diff, axis=-1))
    return out.reshape(shape)

if __name__ == "__main__":
    import jax
    _d = setup_inputs()
    print(jax.jit(kernel)(*tuple(_d.values())))

</pallas_src>

<mosaic_0001>
#map = affine_map<(d0, d1) -> (0, 0, 0)>
#map1 = affine_map<(d0, d1) -> (0, 0)>
#map2 = affine_map<(d0, d1) -> (0)>
module attributes {stable_mosaic.version = 14 : i64} {
  func.func @_body(%arg0: i32, %arg1: i32, %arg2: memref<32x4x128xi32, #tpu.memory_space<hbm>>, %arg3: memref<32x4x128xi32, #tpu.memory_space<hbm>>, %arg4: memref<32x4x128xi32, #tpu.memory_space<hbm>>, %arg5: memref<1000000x64xf32, #tpu.memory_space<hbm>>, %arg6: memref<1000x64xf32, #tpu.memory_space<hbm>>, %arg7: memref<16384xf32, #tpu.memory_space<hbm>>, %arg8: memref<4x128xi32, #tpu.memory_space<vmem>>, %arg9: memref<4x128xi32, #tpu.memory_space<vmem>>, %arg10: memref<4x128xi32, #tpu.memory_space<vmem>>, %arg11: memref<512x64xf32, #tpu.memory_space<vmem>>, %arg12: memref<512x64xf32, #tpu.memory_space<vmem>>, %arg13: memref<512x64xf32, #tpu.memory_space<vmem>>, %arg14: memref<512xf32, #tpu.memory_space<vmem>>, %arg15: memref<!tpu.dma_semaphore, #tpu.memory_space<semaphore_mem>>) attributes {dimension_semantics = [#tpu.dimension_semantics<core_parallel>, #tpu.dimension_semantics<subcore_parallel>], iteration_bounds = array<i64: 2, 16>, scalar_prefetch = 0 : i64, scratch_operands = 8 : i64, tpu.core_type = #tpu.core_type<sc_vector_subcore>, window_params = [{transform_indices = #map}, {transform_indices = #map}, {transform_indices = #map}, {transform_indices = #map1}, {transform_indices = #map1}, {transform_indices = #map2}]} {
    %mul3A = arith.constant 2 : i32
    %mul3A_0 = arith.muli %arg1, %mul3A : i32
    %add3A = arith.addi %mul3A_0, %arg0 : i32
    %mul3A_1 = arith.constant 512 : i32
    %mul3A_2 = arith.muli %add3A, %mul3A_1 : i32
    "tpu.region"() ({
      %run_scoped3A = tpu.sem_alloc : memref<!tpu.dma_semaphore, #tpu.memory_space<semaphore_mem>>
      %dma_start3A_248 = arith.constant 0 : i32
      %dma_start3A_249 = arith.constant 0 : i32
      %dma_start3A_250 = tpu.memref_slice %arg2[%add3A, %dma_start3A_248, %dma_start3A_249] : memref<32x4x128xi32, #tpu.memory_space<hbm>> -> memref<1x4x128xi32, #tpu.memory_space<hbm>>
      %dma_start3A_251 = tpu.memref_squeeze %dma_start3A_250 : memref<1x4x128xi32, #tpu.memory_space<hbm>> -> memref<4x128xi32, #tpu.memory_space<hbm>>
      %dma_start3A_252 = arith.constant 0 : i32
      %dma_start3A_253 = arith.constant 0 : i32
      %dma_start3A_254 = tpu.memref_slice %arg2[%add3A, %dma_start3A_252, %dma_start3A_253] : memref<32x4x128xi32, #tpu.memory_space<hbm>> -> memref<1x4x128xi32, #tpu.memory_space<hbm>>
      %dma_start3A_255 = tpu.memref_squeeze %dma_start3A_254 : memref<1x4x128xi32, #tpu.memory_space<hbm>> -> memref<4x128xi32, #tpu.memory_space<hbm>>
      tpu.enqueue_dma source(%dma_start3A_255 : memref<4x128xi32, #tpu.memory_space<hbm>>) target(%arg8 : memref<4x128xi32, #tpu.memory_space<vmem>>) target_semaphore(%run_scoped3A : memref<!tpu.dma_semaphore, #tpu.memory_space<semaphore_mem>>)
      %dma_wait3A_256 = arith.constant 0 : i32
      %dma_wait3A_257 = arith.constant 0 : i32
      %dma_wait3A_258 = tpu.memref_slice %arg2[%add3A, %dma_wait3A_256, %dma_wait3A_257] : memref<32x4x128xi32, #tpu.memory_space<hbm>> -> memref<1x4x128xi32, #tpu.memory_space<hbm>>
      %dma_wait3A_259 = tpu.memref_squeeze %dma_wait3A_258 : memref<1x4x128xi32, #tpu.memory_space<hbm>> -> memref<4x128xi32, #tpu.memory_space<hbm>>
      %dma_wait3A_260 = arith.constant 0 : i32
      %dma_wait3A_261 = arith.constant 0 : i32
      %dma_wait3A_262 = tpu.memref_slice %arg2[%add3A, %dma_wait3A_260, %dma_wait3A_261] : memref<32x4x128xi32, #tpu.memory_space<hbm>> -> memref<1x4x128xi32, #tpu.memory_space<hbm>>
      %dma_wait3A_263 = tpu.memref_squeeze %dma_wait3A_262 : memref<1x4x128xi32, #tpu.memory_space<hbm>> -> memref<4x128xi32, #tpu.memory_space<hbm>>
      tpu.wait_dma2 semaphore(%run_scoped3A : memref<!tpu.dma_semaphore, #tpu.memory_space<semaphore_mem>>) src(%dma_wait3A_263 : memref<4x128xi32, #tpu.memory_space<hbm>>) dst(%arg8 : memref<4x128xi32, #tpu.memory_space<vmem>>)
      tpu.yield
    }) : () -> ()
    "tpu.region"() ({
      %run_scoped3A = tpu.sem_alloc : memref<!tpu.dma_semaphore, #tpu.memory_space<semaphore_mem>>
      %dma_start3A_248 = arith.constant 0 : i32
      %dma_start3A_249 = arith.constant 0 : i32
      %dma_start3A_250 = tpu.memref_slice %arg3[%add3A, %dma_start3A_248, %dma_start3A_249] : memref<32x4x128xi32, #tpu.memory_space<hbm>> -> memref<1x4x128xi32, #tpu.memory_space<hbm>>
      %dma_start3A_251 = tpu.memref_squeeze %dma_start3A_250 : memref<1x4x128xi32, #tpu.memory_space<hbm>> -> memref<4x128xi32, #tpu.memory_space<hbm>>
      %dma_start3A_252 = arith.constant 0 : i32
      %dma_start3A_253 = arith.constant 0 : i32
      %dma_start3A_254 = tpu.memref_slice %arg3[%add3A, %dma_start3A_252, %dma_start3A_253] : memref<32x4x128xi32, #tpu.memory_space<hbm>> -> memref<1x4x128xi32, #tpu.memory_space<hbm>>
      %dma_start3A_255 = tpu.memref_squeeze %dma_start3A_254 : memref<1x4x128xi32, #tpu.memory_space<hbm>> -> memref<4x128xi32, #tpu.memory_space<hbm>>
      tpu.enqueue_dma source(%dma_start3A_255 : memref<4x128xi32, #tpu.memory_space<hbm>>) target(%arg9 : memref<4x128xi32, #tpu.memory_space<vmem>>) target_semaphore(%run_scoped3A : memref<!tpu.dma_semaphore, #tpu.memory_space<semaphore_mem>>)
      %dma_wait3A_256 = arith.constant 0 : i32
      %dma_wait3A_257 = arith.constant 0 : i32
      %dma_wait3A_258 = tpu.memref_slice %arg3[%add3A, %dma_wait3A_256, %dma_wait3A_257] : memref<32x4x128xi32, #tpu.memory_space<hbm>> -> memref<1x4x128xi32, #tpu.memory_space<hbm>>
      %dma_wait3A_259 = tpu.memref_squeeze %dma_wait3A_258 : memref<1x4x128xi32, #tpu.memory_space<hbm>> -> memref<4x128xi32, #tpu.memory_space<hbm>>
      %dma_wait3A_260 = arith.constant 0 : i32
      %dma_wait3A_261 = arith.constant 0 : i32
      %dma_wait3A_262 = tpu.memref_slice %arg3[%add3A, %dma_wait3A_260, %dma_wait3A_261] : memref<32x4x128xi32, #tpu.memory_space<hbm>> -> memref<1x4x128xi32, #tpu.memory_space<hbm>>
      %dma_wait3A_263 = tpu.memref_squeeze %dma_wait3A_262 : memref<1x4x128xi32, #tpu.memory_space<hbm>> -> memref<4x128xi32, #tpu.memory_space<hbm>>
      tpu.wait_dma2 semaphore(%run_scoped3A : memref<!tpu.dma_semaphore, #tpu.memory_space<semaphore_mem>>) src(%dma_wait3A_263 : memref<4x128xi32, #tpu.memory_space<hbm>>) dst(%arg9 : memref<4x128xi32, #tpu.memory_space<vmem>>)
      tpu.yield
    }) : () -> ()
    "tpu.region"() ({
      %run_scoped3A = tpu.sem_alloc : memref<!tpu.dma_semaphore, #tpu.memory_space<semaphore_mem>>
      %dma_start3A_248 = arith.constant 0 : i32
      %dma_start3A_249 = arith.constant 0 : i32
      %dma_start3A_250 = tpu.memref_slice %arg4[%add3A, %dma_start3A_248, %dma_start3A_249] : memref<32x4x128xi32, #tpu.memory_space<hbm>> -> memref<1x4x128xi32, #tpu.memory_space<hbm>>
      %dma_start3A_251 = tpu.memref_squeeze %dma_start3A_250 : memref<1x4x128xi32, #tpu.memory_space<hbm>> -> memref<4x128xi32, #tpu.memory_space<hbm>>
      %dma_start3A_252 = arith.constant 0 : i32
      %dma_start3A_253 = arith.constant 0 : i32
      %dma_start3A_254 = tpu.memref_slice %arg4[%add3A, %dma_start3A_252, %dma_start3A_253] : memref<32x4x128xi32, #tpu.memory_space<hbm>> -> memref<1x4x128xi32, #tpu.memory_space<hbm>>
      %dma_start3A_255 = tpu.memref_squeeze %dma_start3A_254 : memref<1x4x128xi32, #tpu.memory_space<hbm>> -> memref<4x128xi32, #tpu.memory_space<hbm>>
      tpu.enqueue_dma source(%dma_start3A_255 : memref<4x128xi32, #tpu.memory_space<hbm>>) target(%arg10 : memref<4x128xi32, #tpu.memory_space<vmem>>) target_semaphore(%run_scoped3A : memref<!tpu.dma_semaphore, #tpu.memory_space<semaphore_mem>>)
      %dma_wait3A_256 = arith.constant 0 : i32
      %dma_wait3A_257 = arith.constant 0 : i32
      %dma_wait3A_258 = tpu.memref_slice %arg4[%add3A, %dma_wait3A_256, %dma_wait3A_257] : memref<32x4x128xi32, #tpu.memory_space<hbm>> -> memref<1x4x128xi32, #tpu.memory_space<hbm>>
      %dma_wait3A_259 = tpu.memref_squeeze %dma_wait3A_258 : memref<1x4x128xi32, #tpu.memory_space<hbm>> -> memref<4x128xi32, #tpu.memory_space<hbm>>
      %dma_wait3A_260 = arith.constant 0 : i32
      %dma_wait3A_261 = arith.constant 0 : i32
      %dma_wait3A_262 = tpu.memref_slice %arg4[%add3A, %dma_wait3A_260, %dma_wait3A_261] : memref<32x4x128xi32, #tpu.memory_space<hbm>> -> memref<1x4x128xi32, #tpu.memory_space<hbm>>
      %dma_wait3A_263 = tpu.memref_squeeze %dma_wait3A_262 : memref<1x4x128xi32, #tpu.memory_space<hbm>> -> memref<4x128xi32, #tpu.memory_space<hbm>>
      tpu.wait_dma2 semaphore(%run_scoped3A : memref<!tpu.dma_semaphore, #tpu.memory_space<semaphore_mem>>) src(%dma_wait3A_263 : memref<4x128xi32, #tpu.memory_space<hbm>>) dst(%arg10 : memref<4x128xi32, #tpu.memory_space<vmem>>)
      tpu.yield
    }) : () -> ()
    %dma_start3A = arith.constant 0 : i32
    %dma_start3A_3 = arith.constant 0 : i32
    %dma_start3A_4 = arith.constant 0 : i32
    %dma_start3A_5 = tpu.memref_slice %arg11[%dma_start3A_3, %dma_start3A_4] : memref<512x64xf32, #tpu.memory_space<vmem>> -> memref<128x64xf32, #tpu.memory_space<vmem>>
    %dma_start3A_6 = arith.constant 0 : i32
    %dma_start3A_7 = tpu.memref_slice %arg8[%dma_start3A, %dma_start3A_6] : memref<4x128xi32, #tpu.memory_space<vmem>> -> memref<1x128xi32, #tpu.memory_space<vmem>>
    %dma_start3A_8 = tpu.memref_squeeze %dma_start3A_7 : memref<1x128xi32, #tpu.memory_space<vmem>> -> memref<128xi32, #tpu.memory_space<vmem>>
    %dma_start3A_9 = arith.constant 0 : i32
    %dma_start3A_10 = arith.constant 0 : i32
    %dma_start3A_11 = tpu.memref_slice %arg5[%dma_start3A_9, %dma_start3A_10] : memref<1000000x64xf32, #tpu.memory_space<hbm>> -> memref<1000000x64xf32, #tpu.memory_space<hbm>>
    tpu.enqueue_indirect_dma source(%dma_start3A_11 : memref<1000000x64xf32, #tpu.memory_space<hbm>>) target(%dma_start3A_5 : memref<128x64xf32, #tpu.memory_space<vmem>>) offsets(%dma_start3A_8 : memref<128xi32, #tpu.memory_space<vmem>>) semaphore(%arg15 : memref<!tpu.dma_semaphore, #tpu.memory_space<semaphore_mem>>)
    %dma_start3A_12 = arith.constant 0 : i32
    %dma_start3A_13 = arith.constant 0 : i32
    %dma_start3A_14 = arith.constant 0 : i32
    %dma_start3A_15 = tpu.memref_slice %arg12[%dma_start3A_13, %dma_start3A_14] : memref<512x64xf32, #tpu.memory_space<vmem>> -> memref<128x64xf32, #tpu.memory_space<vmem>>
    %dma_start3A_16 = arith.constant 0 : i32
    %dma_start3A_17 = tpu.memref_slice %arg9[%dma_start3A_12, %dma_start3A_16] : memref<4x128xi32, #tpu.memory_space<vmem>> -> memref<1x128xi32, #tpu.memory_space<vmem>>
    %dma_start3A_18 = tpu.memref_squeeze %dma_start3A_17 : memref<1x128xi32, #tpu.memory_space<vmem>> -> memref<128xi32, #tpu.memory_space<vmem>>
    %dma_start3A_19 = arith.constant 0 : i32
    %dma_start3A_20 = arith.constant 0 : i32
    %dma_start3A_21 = tpu.memref_slice %arg5[%dma_start3A_19, %dma_start3A_20] : memref<1000000x64xf32, #tpu.memory_space<hbm>> -> memref<1000000x64xf32, #tpu.memory_space<hbm>>
    tpu.enqueue_indirect_dma source(%dma_start3A_21 : memref<1000000x64xf32, #tpu.memory_space<hbm>>) target(%dma_start3A_15 : memref<128x64xf32, #tpu.memory_space<vmem>>) offsets(%dma_start3A_18 : memref<128xi32, #tpu.memory_space<vmem>>) semaphore(%arg15 : memref<!tpu.dma_semaphore, #tpu.memory_space<semaphore_mem>>)
    %dma_start3A_22 = arith.constant 0 : i32
    %dma_start3A_23 = arith.constant 0 : i32
    %dma_start3A_24 = arith.constant 0 : i32
    %dma_start3A_25 = tpu.memref_slice %arg13[%dma_start3A_23, %dma_start3A_24] : memref<512x64xf32, #tpu.memory_space<vmem>> -> memref<128x64xf32, #tpu.memory_space<vmem>>
    %dma_start3A_26 = arith.constant 0 : i32
    %dma_start3A_27 = tpu.memref_slice %arg10[%dma_start3A_22, %dma_start3A_26] : memref<4x128xi32, #tpu.memory_space<vmem>> -> memref<1x128xi32, #tpu.memory_space<vmem>>
    %dma_start3A_28 = tpu.memref_squeeze %dma_start3A_27 : memref<1x128xi32, #tpu.memory_space<vmem>> -> memref<128xi32, #tpu.memory_space<vmem>>
    %dma_start3A_29 = arith.constant 0 : i32
    %dma_start3A_30 = arith.constant 0 : i32
    %dma_start3A_31 = tpu.memref_slice %arg6[%dma_start3A_29, %dma_start3A_30] : memref<1000x64xf32, #tpu.memory_space<hbm>> -> memref<1000x64xf32, #tpu.memory_space<hbm>>
    tpu.enqueue_indirect_dma source(%dma_start3A_31 : memref<1000x64xf32, #tpu.memory_space<hbm>>) target(%dma_start3A_25 : memref<128x64xf32, #tpu.memory_space<vmem>>) offsets(%dma_start3A_28 : memref<128xi32, #tpu.memory_space<vmem>>) semaphore(%arg15 : memref<!tpu.dma_semaphore, #tpu.memory_space<semaphore_mem>>)
    %dma_start3A_32 = arith.constant 1 : i32
    %dma_start3A_33 = arith.constant 128 : i32
    %dma_start3A_34 = arith.constant 0 : i32
    %dma_start3A_35 = tpu.memref_slice %arg11[%dma_start3A_33, %dma_start3A_34] : memref<512x64xf32, #tpu.memory_space<vmem>> -> memref<128x64xf32, #tpu.memory_space<vmem>>
    %dma_start3A_36 = arith.constant 0 : i32
    %dma_start3A_37 = tpu.memref_slice %arg8[%dma_start3A_32, %dma_start3A_36] : memref<4x128xi32, #tpu.memory_space<vmem>> -> memref<1x128xi32, #tpu.memory_space<vmem>>
    %dma_start3A_38 = tpu.memref_squeeze %dma_start3A_37 : memref<1x128xi32, #tpu.memory_space<vmem>> -> memref<128xi32, #tpu.memory_space<vmem>>
    %dma_start3A_39 = arith.constant 0 : i32
    %dma_start3A_40 = arith.constant 0 : i32
    %dma_start3A_41 = tpu.memref_slice %arg5[%dma_start3A_39, %dma_start3A_40] : memref<1000000x64xf32, #tpu.memory_space<hbm>> -> memref<1000000x64xf32, #tpu.memory_space<hbm>>
    tpu.enqueue_indirect_dma source(%dma_start3A_41 : memref<1000000x64xf32, #tpu.memory_space<hbm>>) target(%dma_start3A_35 : memref<128x64xf32, #tpu.memory_space<vmem>>) offsets(%dma_start3A_38 : memref<128xi32, #tpu.memory_space<vmem>>) semaphore(%arg15 : memref<!tpu.dma_semaphore, #tpu.memory_space<semaphore_mem>>)
    %dma_start3A_42 = arith.constant 1 : i32
    %dma_start3A_43 = arith.constant 128 : i32
    %dma_start3A_44 = arith.constant 0 : i32
    %dma_start3A_45 = tpu.memref_slice %arg12[%dma_start3A_43, %dma_start3A_44] : memref<512x64xf32, #tpu.memory_space<vmem>> -> memref<128x64xf32, #tpu.memory_space<vmem>>
    %dma_start3A_46 = arith.constant 0 : i32
    %dma_start3A_47 = tpu.memref_slice %arg9[%dma_start3A_42, %dma_start3A_46] : memref<4x128xi32, #tpu.memory_space<vmem>> -> memref<1x128xi32, #tpu.memory_space<vmem>>
    %dma_start3A_48 = tpu.memref_squeeze %dma_start3A_47 : memref<1x128xi32, #tpu.memory_space<vmem>> -> memref<128xi32, #tpu.memory_space<vmem>>
    %dma_start3A_49 = arith.constant 0 : i32
    %dma_start3A_50 = arith.constant 0 : i32
    %dma_start3A_51 = tpu.memref_slice %arg5[%dma_start3A_49, %dma_start3A_50] : memref<1000000x64xf32, #tpu.memory_space<hbm>> -> memref<1000000x64xf32, #tpu.memory_space<hbm>>
    tpu.enqueue_indirect_dma source(%dma_start3A_51 : memref<1000000x64xf32, #tpu.memory_space<hbm>>) target(%dma_start3A_45 : memref<128x64xf32, #tpu.memory_space<vmem>>) offsets(%dma_start3A_48 : memref<128xi32, #tpu.memory_space<vmem>>) semaphore(%arg15 : memref<!tpu.dma_semaphore, #tpu.memory_space<semaphore_mem>>)
    %dma_start3A_52 = arith.constant 1 : i32
    %dma_start3A_53 = arith.constant 128 : i32
    %dma_start3A_54 = arith.constant 0 : i32
    %dma_start3A_55 = tpu.memref_slice %arg13[%dma_start3A_53, %dma_start3A_54] : memref<512x64xf32, #tpu.memory_space<vmem>> -> memref<128x64xf32, #tpu.memory_space<vmem>>
    %dma_start3A_56 = arith.constant 0 : i32
    %dma_start3A_57 = tpu.memref_slice %arg10[%dma_start3A_52, %dma_start3A_56] : memref<4x128xi32, #tpu.memory_space<vmem>> -> memref<1x128xi32, #tpu.memory_space<vmem>>
    %dma_start3A_58 = tpu.memref_squeeze %dma_start3A_57 : memref<1x128xi32, #tpu.memory_space<vmem>> -> memref<128xi32, #tpu.memory_space<vmem>>
    %dma_start3A_59 = arith.constant 0 : i32
    %dma_start3A_60 = arith.constant 0 : i32
    %dma_start3A_61 = tpu.memref_slice %arg6[%dma_start3A_59, %dma_start3A_60] : memref<1000x64xf32, #tpu.memory_space<hbm>> -> memref<1000x64xf32, #tpu.memory_space<hbm>>
    tpu.enqueue_indirect_dma source(%dma_start3A_61 : memref<1000x64xf32, #tpu.memory_space<hbm>>) target(%dma_start3A_55 : memref<128x64xf32, #tpu.memory_space<vmem>>) offsets(%dma_start3A_58 : memref<128xi32, #tpu.memory_space<vmem>>) semaphore(%arg15 : memref<!tpu.dma_semaphore, #tpu.memory_space<semaphore_mem>>)
    %dma_start3A_62 = arith.constant 2 : i32
    %dma_start3A_63 = arith.constant 256 : i32
    %dma_start3A_64 = arith.constant 0 : i32
    %dma_start3A_65 = tpu.memref_slice %arg11[%dma_start3A_63, %dma_start3A_64] : memref<512x64xf32, #tpu.memory_space<vmem>> -> memref<128x64xf32, #tpu.memory_space<vmem>>
    %dma_start3A_66 = arith.constant 0 : i32
    %dma_start3A_67 = tpu.memref_slice %arg8[%dma_start3A_62, %dma_start3A_66] : memref<4x128xi32, #tpu.memory_space<vmem>> -> memref<1x128xi32, #tpu.memory_space<vmem>>
    %dma_start3A_68 = tpu.memref_squeeze %dma_start3A_67 : memref<1x128xi32, #tpu.memory_space<vmem>> -> memref<128xi32, #tpu.memory_space<vmem>>
    %dma_start3A_69 = arith.constant 0 : i32
    %dma_start3A_70 = arith.constant 0 : i32
    %dma_start3A_71 = tpu.memref_slice %arg5[%dma_start3A_69, %dma_start3A_70] : memref<1000000x64xf32, #tpu.memory_space<hbm>> -> memref<1000000x64xf32, #tpu.memory_space<hbm>>
    tpu.enqueue_indirect_dma source(%dma_start3A_71 : memref<1000000x64xf32, #tpu.memory_space<hbm>>) target(%dma_start3A_65 : memref<128x64xf32, #tpu.memory_space<vmem>>) offsets(%dma_start3A_68 : memref<128xi32, #tpu.memory_space<vmem>>) semaphore(%arg15 : memref<!tpu.dma_semaphore, #tpu.memory_space<semaphore_mem>>)
    %dma_start3A_72 = arith.constant 2 : i32
    %dma_start3A_73 = arith.constant 256 : i32
    %dma_start3A_74 = arith.constant 0 : i32
    %dma_start3A_75 = tpu.memref_slice %arg12[%dma_start3A_73, %dma_start3A_74] : memref<512x64xf32, #tpu.memory_space<vmem>> -> memref<128x64xf32, #tpu.memory_space<vmem>>
    %dma_start3A_76 = arith.constant 0 : i32
    %dma_start3A_77 = tpu.memref_slice %arg9[%dma_start3A_72, %dma_start3A_76] : memref<4x128xi32, #tpu.memory_space<vmem>> -> memref<1x128xi32, #tpu.memory_space<vmem>>
    %dma_start3A_78 = tpu.memref_squeeze %dma_start3A_77 : memref<1x128xi32, #tpu.memory_space<vmem>> -> memref<128xi32, #tpu.memory_space<vmem>>
    %dma_start3A_79 = arith.constant 0 : i32
    %dma_start3A_80 = arith.constant 0 : i32
    %dma_start3A_81 = tpu.memref_slice %arg5[%dma_start3A_79, %dma_start3A_80] : memref<1000000x64xf32, #tpu.memory_space<hbm>> -> memref<1000000x64xf32, #tpu.memory_space<hbm>>
    tpu.enqueue_indirect_dma source(%dma_start3A_81 : memref<1000000x64xf32, #tpu.memory_space<hbm>>) target(%dma_start3A_75 : memref<128x64xf32, #tpu.memory_space<vmem>>) offsets(%dma_start3A_78 : memref<128xi32, #tpu.memory_space<vmem>>) semaphore(%arg15 : memref<!tpu.dma_semaphore, #tpu.memory_space<semaphore_mem>>)
    %dma_start3A_82 = arith.constant 2 : i32
    %dma_start3A_83 = arith.constant 256 : i32
    %dma_start3A_84 = arith.constant 0 : i32
    %dma_start3A_85 = tpu.memref_slice %arg13[%dma_start3A_83, %dma_start3A_84] : memref<512x64xf32, #tpu.memory_space<vmem>> -> memref<128x64xf32, #tpu.memory_space<vmem>>
    %dma_start3A_86 = arith.constant 0 : i32
    %dma_start3A_87 = tpu.memref_slice %arg10[%dma_start3A_82, %dma_start3A_86] : memref<4x128xi32, #tpu.memory_space<vmem>> -> memref<1x128xi32, #tpu.memory_space<vmem>>
    %dma_start3A_88 = tpu.memref_squeeze %dma_start3A_87 : memref<1x128xi32, #tpu.memory_space<vmem>> -> memref<128xi32, #tpu.memory_space<vmem>>
    %dma_start3A_89 = arith.constant 0 : i32
    %dma_start3A_90 = arith.constant 0 : i32
    %dma_start3A_91 = tpu.memref_slice %arg6[%dma_start3A_89, %dma_start3A_90] : memref<1000x64xf32, #tpu.memory_space<hbm>> -> memref<1000x64xf32, #tpu.memory_space<hbm>>
    tpu.enqueue_indirect_dma source(%dma_start3A_91 : memref<1000x64xf32, #tpu.memory_space<hbm>>) target(%dma_start3A_85 : memref<128x64xf32, #tpu.memory_space<vmem>>) offsets(%dma_start3A_88 : memref<128xi32, #tpu.memory_space<vmem>>) semaphore(%arg15 : memref<!tpu.dma_semaphore, #tpu.memory_space<semaphore_mem>>)
    %dma_start3A_92 = arith.constant 3 : i32
    %dma_start3A_93 = arith.constant 384 : i32
    %dma_start3A_94 = arith.constant 0 : i32
    %dma_start3A_95 = tpu.memref_slice %arg11[%dma_start3A_93, %dma_start3A_94] : memref<512x64xf32, #tpu.memory_space<vmem>> -> memref<128x64xf32, #tpu.memory_space<vmem>>
    %dma_start3A_96 = arith.constant 0 : i32
    %dma_start3A_97 = tpu.memref_slice %arg8[%dma_start3A_92, %dma_start3A_96] : memref<4x128xi32, #tpu.memory_space<vmem>> -> memref<1x128xi32, #tpu.memory_space<vmem>>
    %dma_start3A_98 = tpu.memref_squeeze %dma_start3A_97 : memref<1x128xi32, #tpu.memory_space<vmem>> -> memref<128xi32, #tpu.memory_space<vmem>>
    %dma_start3A_99 = arith.constant 0 : i32
    %dma_start3A_100 = arith.constant 0 : i32
    %dma_start3A_101 = tpu.memref_slice %arg5[%dma_start3A_99, %dma_start3A_100] : memref<1000000x64xf32, #tpu.memory_space<hbm>> -> memref<1000000x64xf32, #tpu.memory_space<hbm>>
    tpu.enqueue_indirect_dma source(%dma_start3A_101 : memref<1000000x64xf32, #tpu.memory_space<hbm>>) target(%dma_start3A_95 : memref<128x64xf32, #tpu.memory_space<vmem>>) offsets(%dma_start3A_98 : memref<128xi32, #tpu.memory_space<vmem>>) semaphore(%arg15 : memref<!tpu.dma_semaphore, #tpu.memory_space<semaphore_mem>>)
    %dma_start3A_102 = arith.constant 3 : i32
    %dma_start3A_103 = arith.constant 384 : i32
    %dma_start3A_104 = arith.constant 0 : i32
    %dma_start3A_105 = tpu.memref_slice %arg12[%dma_start3A_103, %dma_start3A_104] : memref<512x64xf32, #tpu.memory_space<vmem>> -> memref<128x64xf32, #tpu.memory_space<vmem>>
    %dma_start3A_106 = arith.constant 0 : i32
    %dma_start3A_107 = tpu.memref_slice %arg9[%dma_start3A_102, %dma_start3A_106] : memref<4x128xi32, #tpu.memory_space<vmem>> -> memref<1x128xi32, #tpu.memory_space<vmem>>
    %dma_start3A_108 = tpu.memref_squeeze %dma_start3A_107 : memref<1x128xi32, #tpu.memory_space<vmem>> -> memref<128xi32, #tpu.memory_space<vmem>>
    %dma_start3A_109 = arith.constant 0 : i32
    %dma_start3A_110 = arith.constant 0 : i32
    %dma_start3A_111 = tpu.memref_slice %arg5[%dma_start3A_109, %dma_start3A_110] : memref<1000000x64xf32, #tpu.memory_space<hbm>> -> memref<1000000x64xf32, #tpu.memory_space<hbm>>
    tpu.enqueue_indirect_dma source(%dma_start3A_111 : memref<1000000x64xf32, #tpu.memory_space<hbm>>) target(%dma_start3A_105 : memref<128x64xf32, #tpu.memory_space<vmem>>) offsets(%dma_start3A_108 : memref<128xi32, #tpu.memory_space<vmem>>) semaphore(%arg15 : memref<!tpu.dma_semaphore, #tpu.memory_space<semaphore_mem>>)
    %dma_start3A_112 = arith.constant 3 : i32
    %dma_start3A_113 = arith.constant 384 : i32
    %dma_start3A_114 = arith.constant 0 : i32
    %dma_start3A_115 = tpu.memref_slice %arg13[%dma_start3A_113, %dma_start3A_114] : memref<512x64xf32, #tpu.memory_space<vmem>> -> memref<128x64xf32, #tpu.memory_space<vmem>>
    %dma_start3A_116 = arith.constant 0 : i32
    %dma_start3A_117 = tpu.memref_slice %arg10[%dma_start3A_112, %dma_start3A_116] : memref<4x128xi32, #tpu.memory_space<vmem>> -> memref<1x128xi32, #tpu.memory_space<vmem>>
    %dma_start3A_118 = tpu.memref_squeeze %dma_start3A_117 : memref<1x128xi32, #tpu.memory_space<vmem>> -> memref<128xi32, #tpu.memory_space<vmem>>
    %dma_start3A_119 = arith.constant 0 : i32
    %dma_start3A_120 = arith.constant 0 : i32
    %dma_start3A_121 = tpu.memref_slice %arg6[%dma_start3A_119, %dma_start3A_120] : memref<1000x64xf32, #tpu.memory_space<hbm>> -> memref<1000x64xf32, #tpu.memory_space<hbm>>
    tpu.enqueue_indirect_dma source(%dma_start3A_121 : memref<1000x64xf32, #tpu.memory_space<hbm>>) target(%dma_start3A_115 : memref<128x64xf32, #tpu.memory_space<vmem>>) offsets(%dma_start3A_118 : memref<128xi32, #tpu.memory_space<vmem>>) semaphore(%arg15 : memref<!tpu.dma_semaphore, #tpu.memory_space<semaphore_mem>>)
    %dma_wait3A = arith.constant 0 : i32
    %dma_wait3A_122 = arith.constant 0 : i32
    %dma_wait3A_123 = arith.constant 0 : i32
    %dma_wait3A_124 = tpu.memref_slice %arg11[%dma_wait3A_122, %dma_wait3A_123] : memref<512x64xf32, #tpu.memory_space<vmem>> -> memref<128x64xf32, #tpu.memory_space<vmem>>
    %dma_wait3A_125 = arith.constant 0 : i32
    %dma_wait3A_126 = tpu.memref_slice %arg8[%dma_wait3A, %dma_wait3A_125] : memref<4x128xi32, #tpu.memory_space<vmem>> -> memref<1x128xi32, #tpu.memory_space<vmem>>
    %dma_wait3A_127 = tpu.memref_squeeze %dma_wait3A_126 : memref<1x128xi32, #tpu.memory_space<vmem>> -> memref<128xi32, #tpu.memory_space<vmem>>
    %dma_wait3A_128 = arith.constant 0 : i32
    %dma_wait3A_129 = arith.constant 0 : i32
    %dma_wait3A_130 = tpu.memref_slice %arg5[%dma_wait3A_128, %dma_wait3A_129] : memref<1000000x64xf32, #tpu.memory_space<hbm>> -> memref<1000000x64xf32, #tpu.memory_space<hbm>>
    tpu.wait_indirect_dma semaphore(%arg15 : memref<!tpu.dma_semaphore, #tpu.memory_space<semaphore_mem>>) src(%dma_wait3A_130 : memref<1000000x64xf32, #tpu.memory_space<hbm>>) dst(%dma_wait3A_124 : memref<128x64xf32, #tpu.memory_space<vmem>>)
    %dma_wait3A_131 = arith.constant 0 : i32
    %dma_wait3A_132 = arith.constant 0 : i32
    %dma_wait3A_133 = arith.constant 0 : i32
    %dma_wait3A_134 = tpu.memref_slice %arg12[%dma_wait3A_132, %dma_wait3A_133] : memref<512x64xf32, #tpu.memory_space<vmem>> -> memref<128x64xf32, #tpu.memory_space<vmem>>
    %dma_wait3A_135 = arith.constant 0 : i32
    %dma_wait3A_136 = tpu.memref_slice %arg9[%dma_wait3A_131, %dma_wait3A_135] : memref<4x128xi32, #tpu.memory_space<vmem>> -> memref<1x128xi32, #tpu.memory_space<vmem>>
    %dma_wait3A_137 = tpu.memref_squeeze %dma_wait3A_136 : memref<1x128xi32, #tpu.memory_space<vmem>> -> memref<128xi32, #tpu.memory_space<vmem>>
    %dma_wait3A_138 = arith.constant 0 : i32
    %dma_wait3A_139 = arith.constant 0 : i32
    %dma_wait3A_140 = tpu.memref_slice %arg5[%dma_wait3A_138, %dma_wait3A_139] : memref<1000000x64xf32, #tpu.memory_space<hbm>> -> memref<1000000x64xf32, #tpu.memory_space<hbm>>
    tpu.wait_indirect_dma semaphore(%arg15 : memref<!tpu.dma_semaphore, #tpu.memory_space<semaphore_mem>>) src(%dma_wait3A_140 : memref<1000000x64xf32, #tpu.memory_space<hbm>>) dst(%dma_wait3A_134 : memref<128x64xf32, #tpu.memory_space<vmem>>)
    %dma_wait3A_141 = arith.constant 0 : i32
    %dma_wait3A_142 = arith.constant 0 : i32
    %dma_wait3A_143 = arith.constant 0 : i32
    %dma_wait3A_144 = tpu.memref_slice %arg13[%dma_wait3A_142, %dma_wait3A_143] : memref<512x64xf32, #tpu.memory_space<vmem>> -> memref<128x64xf32, #tpu.memory_space<vmem>>
    %dma_wait3A_145 = arith.constant 0 : i32
    %dma_wait3A_146 = tpu.memref_slice %arg10[%dma_wait3A_141, %dma_wait3A_145] : memref<4x128xi32, #tpu.memory_space<vmem>> -> memref<1x128xi32, #tpu.memory_space<vmem>>
    %dma_wait3A_147 = tpu.memref_squeeze %dma_wait3A_146 : memref<1x128xi32, #tpu.memory_space<vmem>> -> memref<128xi32, #tpu.memory_space<vmem>>
    %dma_wait3A_148 = arith.constant 0 : i32
    %dma_wait3A_149 = arith.constant 0 : i32
    %dma_wait3A_150 = tpu.memref_slice %arg6[%dma_wait3A_148, %dma_wait3A_149] : memref<1000x64xf32, #tpu.memory_space<hbm>> -> memref<1000x64xf32, #tpu.memory_space<hbm>>
    tpu.wait_indirect_dma semaphore(%arg15 : memref<!tpu.dma_semaphore, #tpu.memory_space<semaphore_mem>>) src(%dma_wait3A_150 : memref<1000x64xf32, #tpu.memory_space<hbm>>) dst(%dma_wait3A_144 : memref<128x64xf32, #tpu.memory_space<vmem>>)
    %dma_wait3A_151 = arith.constant 1 : i32
    %dma_wait3A_152 = arith.constant 128 : i32
    %dma_wait3A_153 = arith.constant 0 : i32
    %dma_wait3A_154 = tpu.memref_slice %arg11[%dma_wait3A_152, %dma_wait3A_153] : memref<512x64xf32, #tpu.memory_space<vmem>> -> memref<128x64xf32, #tpu.memory_space<vmem>>
    %dma_wait3A_155 = arith.constant 0 : i32
    %dma_wait3A_156 = tpu.memref_slice %arg8[%dma_wait3A_151, %dma_wait3A_155] : memref<4x128xi32, #tpu.memory_space<vmem>> -> memref<1x128xi32, #tpu.memory_space<vmem>>
    %dma_wait3A_157 = tpu.memref_squeeze %dma_wait3A_156 : memref<1x128xi32, #tpu.memory_space<vmem>> -> memref<128xi32, #tpu.memory_space<vmem>>
    %dma_wait3A_158 = arith.constant 0 : i32
    %dma_wait3A_159 = arith.constant 0 : i32
    %dma_wait3A_160 = tpu.memref_slice %arg5[%dma_wait3A_158, %dma_wait3A_159] : memref<1000000x64xf32, #tpu.memory_space<hbm>> -> memref<1000000x64xf32, #tpu.memory_space<hbm>>
    tpu.wait_indirect_dma semaphore(%arg15 : memref<!tpu.dma_semaphore, #tpu.memory_space<semaphore_mem>>) src(%dma_wait3A_160 : memref<1000000x64xf32, #tpu.memory_space<hbm>>) dst(%dma_wait3A_154 : memref<128x64xf32, #tpu.memory_space<vmem>>)
    %dma_wait3A_161 = arith.constant 1 : i32
    %dma_wait3A_162 = arith.constant 128 : i32
    %dma_wait3A_163 = arith.constant 0 : i32
    %dma_wait3A_164 = tpu.memref_slice %arg12[%dma_wait3A_162, %dma_wait3A_163] : memref<512x64xf32, #tpu.memory_space<vmem>> -> memref<128x64xf32, #tpu.memory_space<vmem>>
    %dma_wait3A_165 = arith.constant 0 : i32
    %dma_wait3A_166 = tpu.memref_slice %arg9[%dma_wait3A_161, %dma_wait3A_165] : memref<4x128xi32, #tpu.memory_space<vmem>> -> memref<1x128xi32, #tpu.memory_space<vmem>>
    %dma_wait3A_167 = tpu.memref_squeeze %dma_wait3A_166 : memref<1x128xi32, #tpu.memory_space<vmem>> -> memref<128xi32, #tpu.memory_space<vmem>>
    %dma_wait3A_168 = arith.constant 0 : i32
    %dma_wait3A_169 = arith.constant 0 : i32
    %dma_wait3A_170 = tpu.memref_slice %arg5[%dma_wait3A_168, %dma_wait3A_169] : memref<1000000x64xf32, #tpu.memory_space<hbm>> -> memref<1000000x64xf32, #tpu.memory_space<hbm>>
    tpu.wait_indirect_dma semaphore(%arg15 : memref<!tpu.dma_semaphore, #tpu.memory_space<semaphore_mem>>) src(%dma_wait3A_170 : memref<1000000x64xf32, #tpu.memory_space<hbm>>) dst(%dma_wait3A_164 : memref<128x64xf32, #tpu.memory_space<vmem>>)
    %dma_wait3A_171 = arith.constant 1 : i32
    %dma_wait3A_172 = arith.constant 128 : i32
    %dma_wait3A_173 = arith.constant 0 : i32
    %dma_wait3A_174 = tpu.memref_slice %arg13[%dma_wait3A_172, %dma_wait3A_173] : memref<512x64xf32, #tpu.memory_space<vmem>> -> memref<128x64xf32, #tpu.memory_space<vmem>>
    %dma_wait3A_175 = arith.constant 0 : i32
    %dma_wait3A_176 = tpu.memref_slice %arg10[%dma_wait3A_171, %dma_wait3A_175] : memref<4x128xi32, #tpu.memory_space<vmem>> -> memref<1x128xi32, #tpu.memory_space<vmem>>
    %dma_wait3A_177 = tpu.memref_squeeze %dma_wait3A_176 : memref<1x128xi32, #tpu.memory_space<vmem>> -> memref<128xi32, #tpu.memory_space<vmem>>
    %dma_wait3A_178 = arith.constant 0 : i32
    %dma_wait3A_179 = arith.constant 0 : i32
    %dma_wait3A_180 = tpu.memref_slice %arg6[%dma_wait3A_178, %dma_wait3A_179] : memref<1000x64xf32, #tpu.memory_space<hbm>> -> memref<1000x64xf32, #tpu.memory_space<hbm>>
    tpu.wait_indirect_dma semaphore(%arg15 : memref<!tpu.dma_semaphore, #tpu.memory_space<semaphore_mem>>) src(%dma_wait3A_180 : memref<1000x64xf32, #tpu.memory_space<hbm>>) dst(%dma_wait3A_174 : memref<128x64xf32, #tpu.memory_space<vmem>>)
    %dma_wait3A_181 = arith.constant 2 : i32
    %dma_wait3A_182 = arith.constant 256 : i32
    %dma_wait3A_183 = arith.constant 0 : i32
    %dma_wait3A_184 = tpu.memref_slice %arg11[%dma_wait3A_182, %dma_wait3A_183] : memref<512x64xf32, #tpu.memory_space<vmem>> -> memref<128x64xf32, #tpu.memory_space<vmem>>
    %dma_wait3A_185 = arith.constant 0 : i32
    %dma_wait3A_186 = tpu.memref_slice %arg8[%dma_wait3A_181, %dma_wait3A_185] : memref<4x128xi32, #tpu.memory_space<vmem>> -> memref<1x128xi32, #tpu.memory_space<vmem>>
    %dma_wait3A_187 = tpu.memref_squeeze %dma_wait3A_186 : memref<1x128xi32, #tpu.memory_space<vmem>> -> memref<128xi32, #tpu.memory_space<vmem>>
    %dma_wait3A_188 = arith.constant 0 : i32
    %dma_wait3A_189 = arith.constant 0 : i32
    %dma_wait3A_190 = tpu.memref_slice %arg5[%dma_wait3A_188, %dma_wait3A_189] : memref<1000000x64xf32, #tpu.memory_space<hbm>> -> memref<1000000x64xf32, #tpu.memory_space<hbm>>
    tpu.wait_indirect_dma semaphore(%arg15 : memref<!tpu.dma_semaphore, #tpu.memory_space<semaphore_mem>>) src(%dma_wait3A_190 : memref<1000000x64xf32, #tpu.memory_space<hbm>>) dst(%dma_wait3A_184 : memref<128x64xf32, #tpu.memory_space<vmem>>)
    %dma_wait3A_191 = arith.constant 2 : i32
    %dma_wait3A_192 = arith.constant 256 : i32
    %dma_wait3A_193 = arith.constant 0 : i32
    %dma_wait3A_194 = tpu.memref_slice %arg12[%dma_wait3A_192, %dma_wait3A_193] : memref<512x64xf32, #tpu.memory_space<vmem>> -> memref<128x64xf32, #tpu.memory_space<vmem>>
    %dma_wait3A_195 = arith.constant 0 : i32
    %dma_wait3A_196 = tpu.memref_slice %arg9[%dma_wait3A_191, %dma_wait3A_195] : memref<4x128xi32, #tpu.memory_space<vmem>> -> memref<1x128xi32, #tpu.memory_space<vmem>>
    %dma_wait3A_197 = tpu.memref_squeeze %dma_wait3A_196 : memref<1x128xi32, #tpu.memory_space<vmem>> -> memref<128xi32, #tpu.memory_space<vmem>>
    %dma_wait3A_198 = arith.constant 0 : i32
    %dma_wait3A_199 = arith.constant 0 : i32
    %dma_wait3A_200 = tpu.memref_slice %arg5[%dma_wait3A_198, %dma_wait3A_199] : memref<1000000x64xf32, #tpu.memory_space<hbm>> -> memref<1000000x64xf32, #tpu.memory_space<hbm>>
    tpu.wait_indirect_dma semaphore(%arg15 : memref<!tpu.dma_semaphore, #tpu.memory_space<semaphore_mem>>) src(%dma_wait3A_200 : memref<1000000x64xf32, #tpu.memory_space<hbm>>) dst(%dma_wait3A_194 : memref<128x64xf32, #tpu.memory_space<vmem>>)
    %dma_wait3A_201 = arith.constant 2 : i32
    %dma_wait3A_202 = arith.constant 256 : i32
    %dma_wait3A_203 = arith.constant 0 : i32
    %dma_wait3A_204 = tpu.memref_slice %arg13[%dma_wait3A_202, %dma_wait3A_203] : memref<512x64xf32, #tpu.memory_space<vmem>> -> memref<128x64xf32, #tpu.memory_space<vmem>>
    %dma_wait3A_205 = arith.constant 0 : i32
    %dma_wait3A_206 = tpu.memref_slice %arg10[%dma_wait3A_201, %dma_wait3A_205] : memref<4x128xi32, #tpu.memory_space<vmem>> -> memref<1x128xi32, #tpu.memory_space<vmem>>
    %dma_wait3A_207 = tpu.memref_squeeze %dma_wait3A_206 : memref<1x128xi32, #tpu.memory_space<vmem>> -> memref<128xi32, #tpu.memory_space<vmem>>
    %dma_wait3A_208 = arith.constant 0 : i32
    %dma_wait3A_209 = arith.constant 0 : i32
    %dma_wait3A_210 = tpu.memref_slice %arg6[%dma_wait3A_208, %dma_wait3A_209] : memref<1000x64xf32, #tpu.memory_space<hbm>> -> memref<1000x64xf32, #tpu.memory_space<hbm>>
    tpu.wait_indirect_dma semaphore(%arg15 : memref<!tpu.dma_semaphore, #tpu.memory_space<semaphore_mem>>) src(%dma_wait3A_210 : memref<1000x64xf32, #tpu.memory_space<hbm>>) dst(%dma_wait3A_204 : memref<128x64xf32, #tpu.memory_space<vmem>>)
    %dma_wait3A_211 = arith.constant 3 : i32
    %dma_wait3A_212 = arith.constant 384 : i32
    %dma_wait3A_213 = arith.constant 0 : i32
    %dma_wait3A_214 = tpu.memref_slice %arg11[%dma_wait3A_212, %dma_wait3A_213] : memref<512x64xf32, #tpu.memory_space<vmem>> -> memref<128x64xf32, #tpu.memory_space<vmem>>
    %dma_wait3A_215 = arith.constant 0 : i32
    %dma_wait3A_216 = tpu.memref_slice %arg8[%dma_wait3A_211, %dma_wait3A_215] : memref<4x128xi32, #tpu.memory_space<vmem>> -> memref<1x128xi32, #tpu.memory_space<vmem>>
    %dma_wait3A_217 = tpu.memref_squeeze %dma_wait3A_216 : memref<1x128xi32, #tpu.memory_space<vmem>> -> memref<128xi32, #tpu.memory_space<vmem>>
    %dma_wait3A_218 = arith.constant 0 : i32
    %dma_wait3A_219 = arith.constant 0 : i32
    %dma_wait3A_220 = tpu.memref_slice %arg5[%dma_wait3A_218, %dma_wait3A_219] : memref<1000000x64xf32, #tpu.memory_space<hbm>> -> memref<1000000x64xf32, #tpu.memory_space<hbm>>
    tpu.wait_indirect_dma semaphore(%arg15 : memref<!tpu.dma_semaphore, #tpu.memory_space<semaphore_mem>>) src(%dma_wait3A_220 : memref<1000000x64xf32, #tpu.memory_space<hbm>>) dst(%dma_wait3A_214 : memref<128x64xf32, #tpu.memory_space<vmem>>)
    %dma_wait3A_221 = arith.constant 3 : i32
    %dma_wait3A_222 = arith.constant 384 : i32
    %dma_wait3A_223 = arith.constant 0 : i32
    %dma_wait3A_224 = tpu.memref_slice %arg12[%dma_wait3A_222, %dma_wait3A_223] : memref<512x64xf32, #tpu.memory_space<vmem>> -> memref<128x64xf32, #tpu.memory_space<vmem>>
    %dma_wait3A_225 = arith.constant 0 : i32
    %dma_wait3A_226 = tpu.memref_slice %arg9[%dma_wait3A_221, %dma_wait3A_225] : memref<4x128xi32, #tpu.memory_space<vmem>> -> memref<1x128xi32, #tpu.memory_space<vmem>>
    %dma_wait3A_227 = tpu.memref_squeeze %dma_wait3A_226 : memref<1x128xi32, #tpu.memory_space<vmem>> -> memref<128xi32, #tpu.memory_space<vmem>>
    %dma_wait3A_228 = arith.constant 0 : i32
    %dma_wait3A_229 = arith.constant 0 : i32
    %dma_wait3A_230 = tpu.memref_slice %arg5[%dma_wait3A_228, %dma_wait3A_229] : memref<1000000x64xf32, #tpu.memory_space<hbm>> -> memref<1000000x64xf32, #tpu.memory_space<hbm>>
    tpu.wait_indirect_dma semaphore(%arg15 : memref<!tpu.dma_semaphore, #tpu.memory_space<semaphore_mem>>) src(%dma_wait3A_230 : memref<1000000x64xf32, #tpu.memory_space<hbm>>) dst(%dma_wait3A_224 : memref<128x64xf32, #tpu.memory_space<vmem>>)
    %dma_wait3A_231 = arith.constant 3 : i32
    %dma_wait3A_232 = arith.constant 384 : i32
    %dma_wait3A_233 = arith.constant 0 : i32
    %dma_wait3A_234 = tpu.memref_slice %arg13[%dma_wait3A_232, %dma_wait3A_233] : memref<512x64xf32, #tpu.memory_space<vmem>> -> memref<128x64xf32, #tpu.memory_space<vmem>>
    %dma_wait3A_235 = arith.constant 0 : i32
    %dma_wait3A_236 = tpu.memref_slice %arg10[%dma_wait3A_231, %dma_wait3A_235] : memref<4x128xi32, #tpu.memory_space<vmem>> -> memref<1x128xi32, #tpu.memory_space<vmem>>
    %dma_wait3A_237 = tpu.memref_squeeze %dma_wait3A_236 : memref<1x128xi32, #tpu.memory_space<vmem>> -> memref<128xi32, #tpu.memory_space<vmem>>
    %dma_wait3A_238 = arith.constant 0 : i32
    %dma_wait3A_239 = arith.constant 0 : i32
    %dma_wait3A_240 = tpu.memref_slice %arg6[%dma_wait3A_238, %dma_wait3A_239] : memref<1000x64xf32, #tpu.memory_space<hbm>> -> memref<1000x64xf32, #tpu.memory_space<hbm>>
    tpu.wait_indirect_dma semaphore(%arg15 : memref<!tpu.dma_semaphore, #tpu.memory_space<semaphore_mem>>) src(%dma_wait3A_240 : memref<1000x64xf32, #tpu.memory_space<hbm>>) dst(%dma_wait3A_234 : memref<128x64xf32, #tpu.memory_space<vmem>>)
    %iota3A = tpu.iota {dimensions = array<i32: 0>} : vector<16xi32>
    %eq3A = arith.constant 0 : i32
    %eq3A_241 = vector.broadcast %eq3A : i32 to vector<16xi32>
    %eq3A_242 = arith.cmpi eq, %iota3A, %eq3A_241 : vector<16xi32>
    %scan3A = arith.constant 0 : i32
    %scan3A_243 = arith.constant 0 : i32
    %scan3A_244 = arith.constant 512 : i32
    %scan3A_245 = arith.addi %scan3A_243, %scan3A_244 : i32
    %scan3A_246 = arith.constant 4 : i32
    scf.for %scan3A_248 = %scan3A_243 to %scan3A_245 step %scan3A_246  : i32 {
      %get3A = arith.index_cast %scan3A_248 : i32 to index
      %get3A_249 = arith.constant 0 : index
      %get3A_250 = tpu.vector_load %arg11[%get3A, %get3A_249] {strides = array<i32>} : memref<512x64xf32, #tpu.memory_space<vmem>>, vector<16xf32>,
      %get3A_251 = arith.index_cast %scan3A_248 : i32 to index
      %get3A_252 = arith.constant 16 : index
      %get3A_253 = tpu.vector_load %arg11[%get3A_251, %get3A_252] {strides = array<i32>} : memref<512x64xf32, #tpu.memory_space<vmem>>, vector<16xf32>,
      %get3A_254 = arith.index_cast %scan3A_248 : i32 to index
      %get3A_255 = arith.constant 32 : index
      %get3A_256 = tpu.vector_load %arg11[%get3A_254, %get3A_255] {strides = array<i32>} : memref<512x64xf32, #tpu.memory_space<vmem>>, vector<16xf32>,
      %get3A_257 = arith.index_cast %scan3A_248 : i32 to index
      %get3A_258 = arith.constant 48 : index
      %get3A_259 = tpu.vector_load %arg11[%get3A_257, %get3A_258] {strides = array<i32>} : memref<512x64xf32, #tpu.memory_space<vmem>>, vector<16xf32>,
      %get3A_260 = arith.index_cast %scan3A_248 : i32 to index
      %get3A_261 = arith.constant 0 : index
      %get3A_262 = tpu.vector_load %arg12[%get3A_260, %get3A_261] {strides = array<i32>} : memref<512x64xf32, #tpu.memory_space<vmem>>, vector<16xf32>,
      %get3A_263 = arith.index_cast %scan3A_248 : i32 to index
      %get3A_264 = arith.constant 16 : index
      %get3A_265 = tpu.vector_load %arg12[%get3A_263, %get3A_264] {strides = array<i32>} : memref<512x64xf32, #tpu.memory_space<vmem>>, vector<16xf32>,
      %get3A_266 = arith.index_cast %scan3A_248 : i32 to index
      %get3A_267 = arith.constant 32 : index
      %get3A_268 = tpu.vector_load %arg12[%get3A_266, %get3A_267] {strides = array<i32>} : memref<512x64xf32, #tpu.memory_space<vmem>>, vector<16xf32>,
      %get3A_269 = arith.index_cast %scan3A_248 : i32 to index
      %get3A_270 = arith.constant 48 : index
      %get3A_271 = tpu.vector_load %arg12[%get3A_269, %get3A_270] {strides = array<i32>} : memref<512x64xf32, #tpu.memory_space<vmem>>, vector<16xf32>,
      %get3A_272 = arith.index_cast %scan3A_248 : i32 to index
      %get3A_273 = arith.constant 0 : index
      %get3A_274 = tpu.vector_load %arg13[%get3A_272, %get3A_273] {strides = array<i32>} : memref<512x64xf32, #tpu.memory_space<vmem>>, vector<16xf32>,
      %get3A_275 = arith.index_cast %scan3A_248 : i32 to index
      %get3A_276 = arith.constant 16 : index
      %get3A_277 = tpu.vector_load %arg13[%get3A_275, %get3A_276] {strides = array<i32>} : memref<512x64xf32, #tpu.memory_space<vmem>>, vector<16xf32>,
      %get3A_278 = arith.index_cast %scan3A_248 : i32 to index
      %get3A_279 = arith.constant 32 : index
      %get3A_280 = tpu.vector_load %arg13[%get3A_278, %get3A_279] {strides = array<i32>} : memref<512x64xf32, #tpu.memory_space<vmem>>, vector<16xf32>,
      %get3A_281 = arith.index_cast %scan3A_248 : i32 to index
      %get3A_282 = arith.constant 48 : index
      %get3A_283 = tpu.vector_load %arg13[%get3A_281, %get3A_282] {strides = array<i32>} : memref<512x64xf32, #tpu.memory_space<vmem>>, vector<16xf32>,
      %mul3A_284 = arith.mulf %get3A_250, %get3A_250 : vector<16xf32>
      %mul3A_285 = arith.mulf %get3A_262, %get3A_262 : vector<16xf32>
      %mul3A_286 = arith.mulf %get3A_253, %get3A_253 : vector<16xf32>
      %add3A_287 = arith.addf %mul3A_284, %mul3A_286 : vector<16xf32>
      %mul3A_288 = arith.mulf %get3A_265, %get3A_265 : vector<16xf32>
      %add3A_289 = arith.addf %mul3A_285, %mul3A_288 : vector<16xf32>
      %mul3A_290 = arith.mulf %get3A_256, %get3A_256 : vector<16xf32>
      %add3A_291 = arith.addf %add3A_287, %mul3A_290 : vector<16xf32>
      %mul3A_292 = arith.mulf %get3A_268, %get3A_268 : vector<16xf32>
      %add3A_293 = arith.addf %add3A_289, %mul3A_292 : vector<16xf32>
      %mul3A_294 = arith.mulf %get3A_259, %get3A_259 : vector<16xf32>
      %add3A_295 = arith.addf %add3A_291, %mul3A_294 : vector<16xf32>
      %mul3A_296 = arith.mulf %get3A_271, %get3A_271 : vector<16xf32>
      %add3A_297 = arith.addf %add3A_293, %mul3A_296 : vector<16xf32>
      %iota3A_298 = tpu.iota {dimensions = array<i32: 0>} : vector<16xi32>
      %xor3A = arith.constant 8 : i32
      %xor3A_299 = vector.broadcast %xor3A : i32 to vector<16xi32>
      %xor3A_300 = arith.xori %iota3A_298, %xor3A_299 : vector<16xi32>
      %broadcast_in_dim3A = vector.shape_cast %xor3A_300 : vector<16xi32> to vector<16x1xi32>
      %gather3A = vector.shape_cast %broadcast_in_dim3A : vector<16x1xi32> to vector<16xi32>
      %gather3A_301 = tpu.dynamic_gather %add3A_295[%gather3A] in [0] : vector<16xf32>, vector<16xi32> -> vector<16xf32>
      %add3A_302 = arith.addf %add3A_295, %gather3A_301 : vector<16xf32>
      %xor3A_303 = arith.constant 4 : i32
      %xor3A_304 = vector.broadcast %xor3A_303 : i32 to vector<16xi32>
      %xor3A_305 = arith.xori %iota3A_298, %xor3A_304 : vector<16xi32>
      %broadcast_in_dim3A_306 = vector.shape_cast %xor3A_305 : vector<16xi32> to vector<16x1xi32>
      %gather3A_307 = vector.shape_cast %broadcast_in_dim3A_306 : vector<16x1xi32> to vector<16xi32>
      %gather3A_308 = tpu.dynamic_gather %add3A_302[%gather3A_307] in [0] : vector<16xf32>, vector<16xi32> -> vector<16xf32>
      %add3A_309 = arith.addf %add3A_302, %gather3A_308 : vector<16xf32>
      %xor3A_310 = arith.constant 2 : i32
      %xor3A_311 = vector.broadcast %xor3A_310 : i32 to vector<16xi32>
      %xor3A_312 = arith.xori %iota3A_298, %xor3A_311 : vector<16xi32>
      %broadcast_in_dim3A_313 = vector.shape_cast %xor3A_312 : vector<16xi32> to vector<16x1xi32>
      %gather3A_314 = vector.shape_cast %broadcast_in_dim3A_313 : vector<16x1xi32> to vector<16xi32>
      %gather3A_315 = tpu.dynamic_gather %add3A_309[%gather3A_314] in [0] : vector<16xf32>, vector<16xi32> -> vector<16xf32>
      %add3A_316 = arith.addf %add3A_309, %gather3A_315 : vector<16xf32>
      %xor3A_317 = arith.constant 1 : i32
      %xor3A_318 = vector.broadcast %xor3A_317 : i32 to vector<16xi32>
      %xor3A_319 = arith.xori %iota3A_298, %xor3A_318 : vector<16xi32>
      %broadcast_in_dim3A_320 = vector.shape_cast %xor3A_319 : vector<16xi32> to vector<16x1xi32>
      %gather3A_321 = vector.shape_cast %broadcast_in_dim3A_320 : vector<16x1xi32> to vector<16xi32>
      %gather3A_322 = tpu.dynamic_gather %add3A_316[%gather3A_321] in [0] : vector<16xf32>, vector<16xi32> -> vector<16xf32>
      %add3A_323 = arith.addf %add3A_316, %gather3A_322 : vector<16xf32>
      %iota3A_324 = tpu.iota {dimensions = array<i32: 0>} : vector<16xi32>
      %xor3A_325 = arith.constant 8 : i32
      %xor3A_326 = vector.broadcast %xor3A_325 : i32 to vector<16xi32>
      %xor3A_327 = arith.xori %iota3A_324, %xor3A_326 : vector<16xi32>
      %broadcast_in_dim3A_328 = vector.shape_cast %xor3A_327 : vector<16xi32> to vector<16x1xi32>
      %gather3A_329 = vector.shape_cast %broadcast_in_dim3A_328 : vector<16x1xi32> to vector<16xi32>
      %gather3A_330 = tpu.dynamic_gather %add3A_297[%gather3A_329] in [0] : vector<16xf32>, vector<16xi32> -> vector<16xf32>
      %add3A_331 = arith.addf %add3A_297, %gather3A_330 : vector<16xf32>
      %xor3A_332 = arith.constant 4 : i32
      %xor3A_333 = vector.broadcast %xor3A_332 : i32 to vector<16xi32>
      %xor3A_334 = arith.xori %iota3A_324, %xor3A_333 : vector<16xi32>
      %broadcast_in_dim3A_335 = vector.shape_cast %xor3A_334 : vector<16xi32> to vector<16x1xi32>
      %gather3A_336 = vector.shape_cast %broadcast_in_dim3A_335 : vector<16x1xi32> to vector<16xi32>
      %gather3A_337 = tpu.dynamic_gather %add3A_331[%gather3A_336] in [0] : vector<16xf32>, vector<16xi32> -> vector<16xf32>
      %add3A_338 = arith.addf %add3A_331, %gather3A_337 : vector<16xf32>
      %xor3A_339 = arith.constant 2 : i32
      %xor3A_340 = vector.broadcast %xor3A_339 : i32 to vector<16xi32>
      %xor3A_341 = arith.xori %iota3A_324, %xor3A_340 : vector<16xi32>
      %broadcast_in_dim3A_342 = vector.shape_cast %xor3A_341 : vector<16xi32> to vector<16x1xi32>
      %gather3A_343 = vector.shape_cast %broadcast_in_dim3A_342 : vector<16x1xi32> to vector<16xi32>
      %gather3A_344 = tpu.dynamic_gather %add3A_338[%gather3A_343] in [0] : vector<16xf32>, vector<16xi32> -> vector<16xf32>
      %add3A_345 = arith.addf %add3A_338, %gather3A_344 : vector<16xf32>
      %xor3A_346 = arith.constant 1 : i32
      %xor3A_347 = vector.broadcast %xor3A_346 : i32 to vector<16xi32>
      %xor3A_348 = arith.xori %iota3A_324, %xor3A_347 : vector<16xi32>
      %broadcast_in_dim3A_349 = vector.shape_cast %xor3A_348 : vector<16xi32> to vector<16x1xi32>
      %gather3A_350 = vector.shape_cast %broadcast_in_dim3A_349 : vector<16x1xi32> to vector<16xi32>
      %gather3A_351 = tpu.dynamic_gather %add3A_345[%gather3A_350] in [0] : vector<16xf32>, vector<16xi32> -> vector<16xf32>
      %add3A_352 = arith.addf %add3A_345, %gather3A_351 : vector<16xf32>
      %max3A = arith.constant 1.000000e-24 : f32
      %max3A_353 = vector.broadcast %max3A : f32 to vector<16xf32>
      %max3A_354 = arith.maximumf %add3A_323, %max3A_353 : vector<16xf32>
      %bitcast_convert_type3A = tpu.bitcast %max3A_354 : vector<16xf32> -> vector<16xi32>
      %shift_right_arithmetic3A = arith.constant 1 : i32
      %shift_right_arithmetic3A_355 = vector.broadcast %shift_right_arithmetic3A : i32 to vector<16xi32>
      %shift_right_arithmetic3A_356 = arith.shrsi %bitcast_convert_type3A, %shift_right_arithmetic3A_355 : vector<16xi32>
      %sub3A = arith.constant 1597463007 : i32
      %sub3A_357 = vector.broadcast %sub3A : i32 to vector<16xi32>
      %sub3A_358 = arith.subi %sub3A_357, %shift_right_arithmetic3A_356 : vector<16xi32>
      %bitcast_convert_type3A_359 = tpu.bitcast %sub3A_358 : vector<16xi32> -> vector<16xf32>
      %mul3A_360 = arith.constant 5.000000e-01 : f32
      %mul3A_361 = vector.broadcast %mul3A_360 : f32 to vector<16xf32>
      %mul3A_362 = arith.mulf %mul3A_361, %max3A_354 : vector<16xf32>
      %mul3A_363 = arith.mulf %mul3A_362, %bitcast_convert_type3A_359 : vector<16xf32>
      %mul3A_364 = arith.mulf %mul3A_363, %bitcast_convert_type3A_359 : vector<16xf32>
      %sub3A_365 = arith.constant 1.500000e+00 : f32
      %sub3A_366 = vector.broadcast %sub3A_365 : f32 to vector<16xf32>
      %sub3A_367 = arith.subf %sub3A_366, %mul3A_364 : vector<16xf32>
      %mul3A_368 = arith.mulf %bitcast_convert_type3A_359, %sub3A_367 : vector<16xf32>
      %mul3A_369 = arith.constant 5.000000e-01 : f32
      %mul3A_370 = vector.broadcast %mul3A_369 : f32 to vector<16xf32>
      %mul3A_371 = arith.mulf %mul3A_370, %max3A_354 : vector<16xf32>
      %mul3A_372 = arith.mulf %mul3A_371, %mul3A_368 : vector<16xf32>
      %mul3A_373 = arith.mulf %mul3A_372, %mul3A_368 : vector<16xf32>
      %sub3A_374 = arith.constant 1.500000e+00 : f32
      %sub3A_375 = vector.broadcast %sub3A_374 : f32 to vector<16xf32>
      %sub3A_376 = arith.subf %sub3A_375, %mul3A_373 : vector<16xf32>
      %mul3A_377 = arith.mulf %mul3A_368, %sub3A_376 : vector<16xf32>
      %max3A_378 = arith.constant 1.000000e-24 : f32
      %max3A_379 = vector.broadcast %max3A_378 : f32 to vector<16xf32>
      %max3A_380 = arith.maximumf %add3A_352, %max3A_379 : vector<16xf32>
      %bitcast_convert_type3A_381 = tpu.bitcast %max3A_380 : vector<16xf32> -> vector<16xi32>
      %shift_right_arithmetic3A_382 = arith.constant 1 : i32
      %shift_right_arithmetic3A_383 = vector.broadcast %shift_right_arithmetic3A_382 : i32 to vector<16xi32>
      %shift_right_arithmetic3A_384 = arith.shrsi %bitcast_convert_type3A_381, %shift_right_arithmetic3A_383 : vector<16xi32>
      %sub3A_385 = arith.constant 1597463007 : i32
      %sub3A_386 = vector.broadcast %sub3A_385 : i32 to vector<16xi32>
      %sub3A_387 = arith.subi %sub3A_386, %shift_right_arithmetic3A_384 : vector<16xi32>
      %bitcast_convert_type3A_388 = tpu.bitcast %sub3A_387 : vector<16xi32> -> vector<16xf32>
      %mul3A_389 = arith.constant 5.000000e-01 : f32
      %mul3A_390 = vector.broadcast %mul3A_389 : f32 to vector<16xf32>
      %mul3A_391 = arith.mulf %mul3A_390, %max3A_380 : vector<16xf32>
      %mul3A_392 = arith.mulf %mul3A_391, %bitcast_convert_type3A_388 : vector<16xf32>
      %mul3A_393 = arith.mulf %mul3A_392, %bitcast_convert_type3A_388 : vector<16xf32>
      %sub3A_394 = arith.constant 1.500000e+00 : f32
      %sub3A_395 = vector.broadcast %sub3A_394 : f32 to vector<16xf32>
      %sub3A_396 = arith.subf %sub3A_395, %mul3A_393 : vector<16xf32>
      %mul3A_397 = arith.mulf %bitcast_convert_type3A_388, %sub3A_396 : vector<16xf32>
      %mul3A_398 = arith.constant 5.000000e-01 : f32
      %mul3A_399 = vector.broadcast %mul3A_398 : f32 to vector<16xf32>
      %mul3A_400 = arith.mulf %mul3A_399, %max3A_380 : vector<16xf32>
      %mul3A_401 = arith.mulf %mul3A_400, %mul3A_397 : vector<16xf32>
      %mul3A_402 = arith.mulf %mul3A_401, %mul3A_397 : vector<16xf32>
      %sub3A_403 = arith.constant 1.500000e+00 : f32
      %sub3A_404 = vector.broadcast %sub3A_403 : f32 to vector<16xf32>
      %sub3A_405 = arith.subf %sub3A_404, %mul3A_402 : vector<16xf32>
      %mul3A_406 = arith.mulf %mul3A_397, %sub3A_405 : vector<16xf32>
      %mul3A_407 = arith.mulf %get3A_262, %mul3A_406 : vector<16xf32>
      %mul3A_408 = arith.mulf %get3A_250, %mul3A_377 : vector<16xf32>
      %sub3A_409 = arith.subf %mul3A_407, %mul3A_408 : vector<16xf32>
      %sub3A_410 = arith.subf %sub3A_409, %get3A_274 : vector<16xf32>
      %mul3A_411 = arith.mulf %sub3A_410, %sub3A_410 : vector<16xf32>
      %mul3A_412 = arith.mulf %get3A_265, %mul3A_406 : vector<16xf32>
      %mul3A_413 = arith.mulf %get3A_253, %mul3A_377 : vector<16xf32>
      %sub3A_414 = arith.subf %mul3A_412, %mul3A_413 : vector<16xf32>
      %sub3A_415 = arith.subf %sub3A_414, %get3A_277 : vector<16xf32>
      %mul3A_416 = arith.mulf %sub3A_415, %sub3A_415 : vector<16xf32>
      %add3A_417 = arith.addf %mul3A_411, %mul3A_416 : vector<16xf32>
      %mul3A_418 = arith.mulf %get3A_268, %mul3A_406 : vector<16xf32>
      %mul3A_419 = arith.mulf %get3A_256, %mul3A_377 : vector<16xf32>
      %sub3A_420 = arith.subf %mul3A_418, %mul3A_419 : vector<16xf32>
      %sub3A_421 = arith.subf %sub3A_420, %get3A_280 : vector<16xf32>
      %mul3A_422 = arith.mulf %sub3A_421, %sub3A_421 : vector<16xf32>
      %add3A_423 = arith.addf %add3A_417, %mul3A_422 : vector<16xf32>
      %mul3A_424 = arith.mulf %get3A_271, %mul3A_406 : vector<16xf32>
      %mul3A_425 = arith.mulf %get3A_259, %mul3A_377 : vector<16xf32>
      %sub3A_426 = arith.subf %mul3A_424, %mul3A_425 : vector<16xf32>
      %sub3A_427 = arith.subf %sub3A_426, %get3A_283 : vector<16xf32>
      %mul3A_428 = arith.mulf %sub3A_427, %sub3A_427 : vector<16xf32>
      %add3A_429 = arith.addf %add3A_423, %mul3A_428 : vector<16xf32>
      %iota3A_430 = tpu.iota {dimensions = array<i32: 0>} : vector<16xi32>
      %xor3A_431 = arith.constant 8 : i32
      %xor3A_432 = vector.broadcast %xor3A_431 : i32 to vector<16xi32>
      %xor3A_433 = arith.xori %iota3A_430, %xor3A_432 : vector<16xi32>
      %broadcast_in_dim3A_434 = vector.shape_cast %xor3A_433 : vector<16xi32> to vector<16x1xi32>
      %gather3A_435 = vector.shape_cast %broadcast_in_dim3A_434 : vector<16x1xi32> to vector<16xi32>
      %gather3A_436 = tpu.dynamic_gather %add3A_429[%gather3A_435] in [0] : vector<16xf32>, vector<16xi32> -> vector<16xf32>
      %add3A_437 = arith.addf %add3A_429, %gather3A_436 : vector<16xf32>
      %xor3A_438 = arith.constant 4 : i32
      %xor3A_439 = vector.broadcast %xor3A_438 : i32 to vector<16xi32>
      %xor3A_440 = arith.xori %iota3A_430, %xor3A_439 : vector<16xi32>
      %broadcast_in_dim3A_441 = vector.shape_cast %xor3A_440 : vector<16xi32> to vector<16x1xi32>
      %gather3A_442 = vector.shape_cast %broadcast_in_dim3A_441 : vector<16x1xi32> to vector<16xi32>
      %gather3A_443 = tpu.dynamic_gather %add3A_437[%gather3A_442] in [0] : vector<16xf32>, vector<16xi32> -> vector<16xf32>
      %add3A_444 = arith.addf %add3A_437, %gather3A_443 : vector<16xf32>
      %xor3A_445 = arith.constant 2 : i32
      %xor3A_446 = vector.broadcast %xor3A_445 : i32 to vector<16xi32>
      %xor3A_447 = arith.xori %iota3A_430, %xor3A_446 : vector<16xi32>
      %broadcast_in_dim3A_448 = vector.shape_cast %xor3A_447 : vector<16xi32> to vector<16x1xi32>
      %gather3A_449 = vector.shape_cast %broadcast_in_dim3A_448 : vector<16x1xi32> to vector<16xi32>
      %gather3A_450 = tpu.dynamic_gather %add3A_444[%gather3A_449] in [0] : vector<16xf32>, vector<16xi32> -> vector<16xf32>
      %add3A_451 = arith.addf %add3A_444, %gather3A_450 : vector<16xf32>
      %xor3A_452 = arith.constant 1 : i32
      %xor3A_453 = vector.broadcast %xor3A_452 : i32 to vector<16xi32>
      %xor3A_454 = arith.xori %iota3A_430, %xor3A_453 : vector<16xi32>
      %broadcast_in_dim3A_455 = vector.shape_cast %xor3A_454 : vector<16xi32> to vector<16x1xi32>
      %gather3A_456 = vector.shape_cast %broadcast_in_dim3A_455 : vector<16x1xi32> to vector<16xi32>
      %gather3A_457 = tpu.dynamic_gather %add3A_451[%gather3A_456] in [0] : vector<16xf32>, vector<16xi32> -> vector<16xf32>
      %add3A_458 = arith.addf %add3A_451, %gather3A_457 : vector<16xf32>
      %max3A_459 = arith.constant 1.000000e-30 : f32
      %max3A_460 = vector.broadcast %max3A_459 : f32 to vector<16xf32>
      %max3A_461 = arith.maximumf %add3A_458, %max3A_460 : vector<16xf32>
      %bitcast_convert_type3A_462 = tpu.bitcast %max3A_461 : vector<16xf32> -> vector<16xi32>
      %shift_right_arithmetic3A_463 = arith.constant 1 : i32
      %shift_right_arithmetic3A_464 = vector.broadcast %shift_right_arithmetic3A_463 : i32 to vector<16xi32>
      %shift_right_arithmetic3A_465 = arith.shrsi %bitcast_convert_type3A_462, %shift_right_arithmetic3A_464 : vector<16xi32>
      %sub3A_466 = arith.constant 1597463007 : i32
      %sub3A_467 = vector.broadcast %sub3A_466 : i32 to vector<16xi32>
      %sub3A_468 = arith.subi %sub3A_467, %shift_right_arithmetic3A_465 : vector<16xi32>
      %bitcast_convert_type3A_469 = tpu.bitcast %sub3A_468 : vector<16xi32> -> vector<16xf32>
      %mul3A_470 = arith.constant 5.000000e-01 : f32
      %mul3A_471 = vector.broadcast %mul3A_470 : f32 to vector<16xf32>
      %mul3A_472 = arith.mulf %mul3A_471, %max3A_461 : vector<16xf32>
      %mul3A_473 = arith.mulf %mul3A_472, %bitcast_convert_type3A_469 : vector<16xf32>
      %mul3A_474 = arith.mulf %mul3A_473, %bitcast_convert_type3A_469 : vector<16xf32>
      %sub3A_475 = arith.constant 1.500000e+00 : f32
      %sub3A_476 = vector.broadcast %sub3A_475 : f32 to vector<16xf32>
      %sub3A_477 = arith.subf %sub3A_476, %mul3A_474 : vector<16xf32>
      %mul3A_478 = arith.mulf %bitcast_convert_type3A_469, %sub3A_477 : vector<16xf32>
      %mul3A_479 = arith.constant 5.000000e-01 : f32
      %mul3A_480 = vector.broadcast %mul3A_479 : f32 to vector<16xf32>
      %mul3A_481 = arith.mulf %mul3A_480, %max3A_461 : vector<16xf32>
      %mul3A_482 = arith.mulf %mul3A_481, %mul3A_478 : vector<16xf32>
      %mul3A_483 = arith.mulf %mul3A_482, %mul3A_478 : vector<16xf32>
      %sub3A_484 = arith.constant 1.500000e+00 : f32
      %sub3A_485 = vector.broadcast %sub3A_484 : f32 to vector<16xf32>
      %sub3A_486 = arith.subf %sub3A_485, %mul3A_483 : vector<16xf32>
      %mul3A_487 = arith.mulf %mul3A_478, %sub3A_486 : vector<16xf32>
      %mul3A_488 = arith.mulf %add3A_458, %mul3A_487 : vector<16xf32>
      %broadcast_in_dim3A_489 = vector.broadcast %scan3A_248 : i32 to vector<16xi32>
      tpu.vector_store_idx %arg14[%broadcast_in_dim3A_489], %mul3A_488 masked %eq3A_242 : memref<512xf32, #tpu.memory_space<vmem>>[vector<16xi32>], vector<16xf32>, vector<16xi1>
      %scan3A_490 = arith.constant 1 : i32
      %scan3A_491 = arith.addi %scan3A_248, %scan3A_490 : i32
      %get3A_492 = arith.index_cast %scan3A_491 : i32 to index
      %get3A_493 = arith.constant 0 : index
      %get3A_494 = tpu.vector_load %arg11[%get3A_492, %get3A_493] {strides = array<i32>} : memref<512x64xf32, #tpu.memory_space<vmem>>, vector<16xf32>,
      %get3A_495 = arith.index_cast %scan3A_491 : i32 to index
      %get3A_496 = arith.constant 16 : index
      %get3A_497 = tpu.vector_load %arg11[%get3A_495, %get3A_496] {strides = array<i32>} : memref<512x64xf32, #tpu.memory_space<vmem>>, vector<16xf32>,
      %get3A_498 = arith.index_cast %scan3A_491 : i32 to index
      %get3A_499 = arith.constant 32 : index
      %get3A_500 = tpu.vector_load %arg11[%get3A_498, %get3A_499] {strides = array<i32>} : memref<512x64xf32, #tpu.memory_space<vmem>>, vector<16xf32>,
      %get3A_501 = arith.index_cast %scan3A_491 : i32 to index
      %get3A_502 = arith.constant 48 : index
      %get3A_503 = tpu.vector_load %arg11[%get3A_501, %get3A_502] {strides = array<i32>} : memref<512x64xf32, #tpu.memory_space<vmem>>, vector<16xf32>,
      %get3A_504 = arith.index_cast %scan3A_491 : i32 to index
      %get3A_505 = arith.constant 0 : index
      %get3A_506 = tpu.vector_load %arg12[%get3A_504, %get3A_505] {strides = array<i32>} : memref<512x64xf32, #tpu.memory_space<vmem>>, vector<16xf32>,
      %get3A_507 = arith.index_cast %scan3A_491 : i32 to index
      %get3A_508 = arith.constant 16 : index
      %get3A_509 = tpu.vector_load %arg12[%get3A_507, %get3A_508] {strides = array<i32>} : memref<512x64xf32, #tpu.memory_space<vmem>>, vector<16xf32>,
      %get3A_510 = arith.index_cast %scan3A_491 : i32 to index
      %get3A_511 = arith.constant 32 : index
      %get3A_512 = tpu.vector_load %arg12[%get3A_510, %get3A_511] {strides = array<i32>} : memref<512x64xf32, #tpu.memory_space<vmem>>, vector<16xf32>,
      %get3A_513 = arith.index_cast %scan3A_491 : i32 to index
      %get3A_514 = arith.constant 48 : index
      %get3A_515 = tpu.vector_load %arg12[%get3A_513, %get3A_514] {strides = array<i32>} : memref<512x64xf32, #tpu.memory_space<vmem>>, vector<16xf32>,
      %get3A_516 = arith.index_cast %scan3A_491 : i32 to index
      %get3A_517 = arith.constant 0 : index
      %get3A_518 = tpu.vector_load %arg13[%get3A_516, %get3A_517] {strides = array<i32>} : memref<512x64xf32, #tpu.memory_space<vmem>>, vector<16xf32>,
      %get3A_519 = arith.index_cast %scan3A_491 : i32 to index
      %get3A_520 = arith.constant 16 : index
      %get3A_521 = tpu.vector_load %arg13[%get3A_519, %get3A_520] {strides = array<i32>} : memref<512x64xf32, #tpu.memory_space<vmem>>, vector<16xf32>,
      %get3A_522 = arith.index_cast %scan3A_491 : i32 to index
      %get3A_523 = arith.constant 32 : index
      %get3A_524 = tpu.vector_load %arg13[%get3A_522, %get3A_523] {strides = array<i32>} : memref<512x64xf32, #tpu.memory_space<vmem>>, vector<16xf32>,
      %get3A_525 = arith.index_cast %scan3A_491 : i32 to index
      %get3A_526 = arith.constant 48 : index
      %get3A_527 = tpu.vector_load %arg13[%get3A_525, %get3A_526] {strides = array<i32>} : memref<512x64xf32, #tpu.memory_space<vmem>>, vector<16xf32>,
      %mul3A_528 = arith.mulf %get3A_494, %get3A_494 : vector<16xf32>
      %mul3A_529 = arith.mulf %get3A_506, %get3A_506 : vector<16xf32>
      %mul3A_530 = arith.mulf %get3A_497, %get3A_497 : vector<16xf32>
      %add3A_531 = arith.addf %mul3A_528, %mul3A_530 : vector<16xf32>
      %mul3A_532 = arith.mulf %get3A_509, %get3A_509 : vector<16xf32>
      %add3A_533 = arith.addf %mul3A_529, %mul3A_532 : vector<16xf32>
      %mul3A_534 = arith.mulf %get3A_500, %get3A_500 : vector<16xf32>
      %add3A_535 = arith.addf %add3A_531, %mul3A_534 : vector<16xf32>
      %mul3A_536 = arith.mulf %get3A_512, %get3A_512 : vector<16xf32>
      %add3A_537 = arith.addf %add3A_533, %mul3A_536 : vector<16xf32>
      %mul3A_538 = arith.mulf %get3A_503, %get3A_503 : vector<16xf32>
      %add3A_539 = arith.addf %add3A_535, %mul3A_538 : vector<16xf32>
      %mul3A_540 = arith.mulf %get3A_515, %get3A_515 : vector<16xf32>
      %add3A_541 = arith.addf %add3A_537, %mul3A_540 : vector<16xf32>
      %iota3A_542 = tpu.iota {dimensions = array<i32: 0>} : vector<16xi32>
      %xor3A_543 = arith.constant 8 : i32
      %xor3A_544 = vector.broadcast %xor3A_543 : i32 to vector<16xi32>
      %xor3A_545 = arith.xori %iota3A_542, %xor3A_544 : vector<16xi32>
      %broadcast_in_dim3A_546 = vector.shape_cast %xor3A_545 : vector<16xi32> to vector<16x1xi32>
      %gather3A_547 = vector.shape_cast %broadcast_in_dim3A_546 : vector<16x1xi32> to vector<16xi32>
      %gather3A_548 = tpu.dynamic_gather %add3A_539[%gather3A_547] in [0] : vector<16xf32>, vector<16xi32> -> vector<16xf32>
      %add3A_549 = arith.addf %add3A_539, %gather3A_548 : vector<16xf32>
      %xor3A_550 = arith.constant 4 : i32
      %xor3A_551 = vector.broadcast %xor3A_550 : i32 to vector<16xi32>
      %xor3A_552 = arith.xori %iota3A_542, %xor3A_551 : vector<16xi32>
      %broadcast_in_dim3A_553 = vector.shape_cast %xor3A_552 : vector<16xi32> to vector<16x1xi32>
      %gather3A_554 = vector.shape_cast %broadcast_in_dim3A_553 : vector<16x1xi32> to vector<16xi32>
      %gather3A_555 = tpu.dynamic_gather %add3A_549[%gather3A_554] in [0] : vector<16xf32>, vector<16xi32> -> vector<16xf32>
      %add3A_556 = arith.addf %add3A_549, %gather3A_555 : vector<16xf32>
      %xor3A_557 = arith.constant 2 : i32
      %xor3A_558 = vector.broadcast %xor3A_557 : i32 to vector<16xi32>
      %xor3A_559 = arith.xori %iota3A_542, %xor3A_558 : vector<16xi32>
      %broadcast_in_dim3A_560 = vector.shape_cast %xor3A_559 : vector<16xi32> to vector<16x1xi32>
      %gather3A_561 = vector.shape_cast %broadcast_in_dim3A_560 : vector<16x1xi32> to vector<16xi32>
      %gather3A_562 = tpu.dynamic_gather %add3A_556[%gather3A_561] in [0] : vector<16xf32>, vector<16xi32> -> vector<16xf32>
      %add3A_563 = arith.addf %add3A_556, %gather3A_562 : vector<16xf32>
      %xor3A_564 = arith.constant 1 : i32
      %xor3A_565 = vector.broadcast %xor3A_564 : i32 to vector<16xi32>
      %xor3A_566 = arith.xori %iota3A_542, %xor3A_565 : vector<16xi32>
      %broadcast_in_dim3A_567 = vector.shape_cast %xor3A_566 : vector<16xi32> to vector<16x1xi32>
      %gather3A_568 = vector.shape_cast %broadcast_in_dim3A_567 : vector<16x1xi32> to vector<16xi32>
      %gather3A_569 = tpu.dynamic_gather %add3A_563[%gather3A_568] in [0] : vector<16xf32>, vector<16xi32> -> vector<16xf32>
      %add3A_570 = arith.addf %add3A_563, %gather3A_569 : vector<16xf32>
      %iota3A_571 = tpu.iota {dimensions = array<i32: 0>} : vector<16xi32>
      %xor3A_572 = arith.constant 8 : i32
      %xor3A_573 = vector.broadcast %xor3A_572 : i32 to vector<16xi32>
      %xor3A_574 = arith.xori %iota3A_571, %xor3A_573 : vector<16xi32>
      %broadcast_in_dim3A_575 = vector.shape_cast %xor3A_574 : vector<16xi32> to vector<16x1xi32>
      %gather3A_576 = vector.shape_cast %broadcast_in_dim3A_575 : vector<16x1xi32> to vector<16xi32>
      %gather3A_577 = tpu.dynamic_gather %add3A_541[%gather3A_576] in [0] : vector<16xf32>, vector<16xi32> -> vector<16xf32>
      %add3A_578 = arith.addf %add3A_541, %gather3A_577 : vector<16xf32>
      %xor3A_579 = arith.constant 4 : i32
      %xor3A_580 = vector.broadcast %xor3A_579 : i32 to vector<16xi32>
      %xor3A_581 = arith.xori %iota3A_571, %xor3A_580 : vector<16xi32>
      %broadcast_in_dim3A_582 = vector.shape_cast %xor3A_581 : vector<16xi32> to vector<16x1xi32>
      %gather3A_583 = vector.shape_cast %broadcast_in_dim3A_582 : vector<16x1xi32> to vector<16xi32>
      %gather3A_584 = tpu.dynamic_gather %add3A_578[%gather3A_583] in [0] : vector<16xf32>, vector<16xi32> -> vector<16xf32>
      %add3A_585 = arith.addf %add3A_578, %gather3A_584 : vector<16xf32>
      %xor3A_586 = arith.constant 2 : i32
      %xor3A_587 = vector.broadcast %xor3A_586 : i32 to vector<16xi32>
      %xor3A_588 = arith.xori %iota3A_571, %xor3A_587 : vector<16xi32>
      %broadcast_in_dim3A_589 = vector.shape_cast %xor3A_588 : vector<16xi32> to vector<16x1xi32>
      %gather3A_590 = vector.shape_cast %broadcast_in_dim3A_589 : vector<16x1xi32> to vector<16xi32>
      %gather3A_591 = tpu.dynamic_gather %add3A_585[%gather3A_590] in [0] : vector<16xf32>, vector<16xi32> -> vector<16xf32>
      %add3A_592 = arith.addf %add3A_585, %gather3A_591 : vector<16xf32>
      %xor3A_593 = arith.constant 1 : i32
      %xor3A_594 = vector.broadcast %xor3A_593 : i32 to vector<16xi32>
      %xor3A_595 = arith.xori %iota3A_571, %xor3A_594 : vector<16xi32>
      %broadcast_in_dim3A_596 = vector.shape_cast %xor3A_595 : vector<16xi32> to vector<16x1xi32>
      %gather3A_597 = vector.shape_cast %broadcast_in_dim3A_596 : vector<16x1xi32> to vector<16xi32>
      %gather3A_598 = tpu.dynamic_gather %add3A_592[%gather3A_597] in [0] : vector<16xf32>, vector<16xi32> -> vector<16xf32>
      %add3A_599 = arith.addf %add3A_592, %gather3A_598 : vector<16xf32>
      %max3A_600 = arith.constant 1.000000e-24 : f32
      %max3A_601 = vector.broadcast %max3A_600 : f32 to vector<16xf32>
      %max3A_602 = arith.maximumf %add3A_570, %max3A_601 : vector<16xf32>
      %bitcast_convert_type3A_603 = tpu.bitcast %max3A_602 : vector<16xf32> -> vector<16xi32>
      %shift_right_arithmetic3A_604 = arith.constant 1 : i32
      %shift_right_arithmetic3A_605 = vector.broadcast %shift_right_arithmetic3A_604 : i32 to vector<16xi32>
      %shift_right_arithmetic3A_606 = arith.shrsi %bitcast_convert_type3A_603, %shift_right_arithmetic3A_605 : vector<16xi32>
      %sub3A_607 = arith.constant 1597463007 : i32
      %sub3A_608 = vector.broadcast %sub3A_607 : i32 to vector<16xi32>
      %sub3A_609 = arith.subi %sub3A_608, %shift_right_arithmetic3A_606 : vector<16xi32>
      %bitcast_convert_type3A_610 = tpu.bitcast %sub3A_609 : vector<16xi32> -> vector<16xf32>
      %mul3A_611 = arith.constant 5.000000e-01 : f32
      %mul3A_612 = vector.broadcast %mul3A_611 : f32 to vector<16xf32>
      %mul3A_613 = arith.mulf %mul3A_612, %max3A_602 : vector<16xf32>
      %mul3A_614 = arith.mulf %mul3A_613, %bitcast_convert_type3A_610 : vector<16xf32>
      %mul3A_615 = arith.mulf %mul3A_614, %bitcast_convert_type3A_610 : vector<16xf32>
      %sub3A_616 = arith.constant 1.500000e+00 : f32
      %sub3A_617 = vector.broadcast %sub3A_616 : f32 to vector<16xf32>
      %sub3A_618 = arith.subf %sub3A_617, %mul3A_615 : vector<16xf32>
      %mul3A_619 = arith.mulf %bitcast_convert_type3A_610, %sub3A_618 : vector<16xf32>
      %mul3A_620 = arith.constant 5.000000e-01 : f32
      %mul3A_621 = vector.broadcast %mul3A_620 : f32 to vector<16xf32>
      %mul3A_622 = arith.mulf %mul3A_621, %max3A_602 : vector<16xf32>
      %mul3A_623 = arith.mulf %mul3A_622, %mul3A_619 : vector<16xf32>
      %mul3A_624 = arith.mulf %mul3A_623, %mul3A_619 : vector<16xf32>
      %sub3A_625 = arith.constant 1.500000e+00 : f32
      %sub3A_626 = vector.broadcast %sub3A_625 : f32 to vector<16xf32>
      %sub3A_627 = arith.subf %sub3A_626, %mul3A_624 : vector<16xf32>
      %mul3A_628 = arith.mulf %mul3A_619, %sub3A_627 : vector<16xf32>
      %max3A_629 = arith.constant 1.000000e-24 : f32
      %max3A_630 = vector.broadcast %max3A_629 : f32 to vector<16xf32>
      %max3A_631 = arith.maximumf %add3A_599, %max3A_630 : vector<16xf32>
      %bitcast_convert_type3A_632 = tpu.bitcast %max3A_631 : vector<16xf32> -> vector<16xi32>
      %shift_right_arithmetic3A_633 = arith.constant 1 : i32
      %shift_right_arithmetic3A_634 = vector.broadcast %shift_right_arithmetic3A_633 : i32 to vector<16xi32>
      %shift_right_arithmetic3A_635 = arith.shrsi %bitcast_convert_type3A_632, %shift_right_arithmetic3A_634 : vector<16xi32>
      %sub3A_636 = arith.constant 1597463007 : i32
      %sub3A_637 = vector.broadcast %sub3A_636 : i32 to vector<16xi32>
      %sub3A_638 = arith.subi %sub3A_637, %shift_right_arithmetic3A_635 : vector<16xi32>
      %bitcast_convert_type3A_639 = tpu.bitcast %sub3A_638 : vector<16xi32> -> vector<16xf32>
      %mul3A_640 = arith.constant 5.000000e-01 : f32
      %mul3A_641 = vector.broadcast %mul3A_640 : f32 to vector<16xf32>
      %mul3A_642 = arith.mulf %mul3A_641, %max3A_631 : vector<16xf32>
      %mul3A_643 = arith.mulf %mul3A_642, %bitcast_convert_type3A_639 : vector<16xf32>
      %mul3A_644 = arith.mulf %mul3A_643, %bitcast_convert_type3A_639 : vector<16xf32>
      %sub3A_645 = arith.constant 1.500000e+00 : f32
      %sub3A_646 = vector.broadcast %sub3A_645 : f32 to vector<16xf32>
      %sub3A_647 = arith.subf %sub3A_646, %mul3A_644 : vector<16xf32>
      %mul3A_648 = arith.mulf %bitcast_convert_type3A_639, %sub3A_647 : vector<16xf32>
      %mul3A_649 = arith.constant 5.000000e-01 : f32
      %mul3A_650 = vector.broadcast %mul3A_649 : f32 to vector<16xf32>
      %mul3A_651 = arith.mulf %mul3A_650, %max3A_631 : vector<16xf32>
      %mul3A_652 = arith.mulf %mul3A_651, %mul3A_648 : vector<16xf32>
      %mul3A_653 = arith.mulf %mul3A_652, %mul3A_648 : vector<16xf32>
      %sub3A_654 = arith.constant 1.500000e+00 : f32
      %sub3A_655 = vector.broadcast %sub3A_654 : f32 to vector<16xf32>
      %sub3A_656 = arith.subf %sub3A_655, %mul3A_653 : vector<16xf32>
      %mul3A_657 = arith.mulf %mul3A_648, %sub3A_656 : vector<16xf32>
      %mul3A_658 = arith.mulf %get3A_506, %mul3A_657 : vector<16xf32>
      %mul3A_659 = arith.mulf %get3A_494, %mul3A_628 : vector<16xf32>
      %sub3A_660 = arith.subf %mul3A_658, %mul3A_659 : vector<16xf32>
      %sub3A_661 = arith.subf %sub3A_660, %get3A_518 : vector<16xf32>
      %mul3A_662 = arith.mulf %sub3A_661, %sub3A_661 : vector<16xf32>
      %mul3A_663 = arith.mulf %get3A_509, %mul3A_657 : vector<16xf32>
      %mul3A_664 = arith.mulf %get3A_497, %mul3A_628 : vector<16xf32>
      %sub3A_665 = arith.subf %mul3A_663, %mul3A_664 : vector<16xf32>
      %sub3A_666 = arith.subf %sub3A_665, %get3A_521 : vector<16xf32>
      %mul3A_667 = arith.mulf %sub3A_666, %sub3A_666 : vector<16xf32>
      %add3A_668 = arith.addf %mul3A_662, %mul3A_667 : vector<16xf32>
      %mul3A_669 = arith.mulf %get3A_512, %mul3A_657 : vector<16xf32>
      %mul3A_670 = arith.mulf %get3A_500, %mul3A_628 : vector<16xf32>
      %sub3A_671 = arith.subf %mul3A_669, %mul3A_670 : vector<16xf32>
      %sub3A_672 = arith.subf %sub3A_671, %get3A_524 : vector<16xf32>
      %mul3A_673 = arith.mulf %sub3A_672, %sub3A_672 : vector<16xf32>
      %add3A_674 = arith.addf %add3A_668, %mul3A_673 : vector<16xf32>
      %mul3A_675 = arith.mulf %get3A_515, %mul3A_657 : vector<16xf32>
      %mul3A_676 = arith.mulf %get3A_503, %mul3A_628 : vector<16xf32>
      %sub3A_677 = arith.subf %mul3A_675, %mul3A_676 : vector<16xf32>
      %sub3A_678 = arith.subf %sub3A_677, %get3A_527 : vector<16xf32>
      %mul3A_679 = arith.mulf %sub3A_678, %sub3A_678 : vector<16xf32>
      %add3A_680 = arith.addf %add3A_674, %mul3A_679 : vector<16xf32>
      %iota3A_681 = tpu.iota {dimensions = array<i32: 0>} : vector<16xi32>
      %xor3A_682 = arith.constant 8 : i32
      %xor3A_683 = vector.broadcast %xor3A_682 : i32 to vector<16xi32>
      %xor3A_684 = arith.xori %iota3A_681, %xor3A_683 : vector<16xi32>
      %broadcast_in_dim3A_685 = vector.shape_cast %xor3A_684 : vector<16xi32> to vector<16x1xi32>
      %gather3A_686 = vector.shape_cast %broadcast_in_dim3A_685 : vector<16x1xi32> to vector<16xi32>
      %gather3A_687 = tpu.dynamic_gather %add3A_680[%gather3A_686] in [0] : vector<16xf32>, vector<16xi32> -> vector<16xf32>
      %add3A_688 = arith.addf %add3A_680, %gather3A_687 : vector<16xf32>
      %xor3A_689 = arith.constant 4 : i32
      %xor3A_690 = vector.broadcast %xor3A_689 : i32 to vector<16xi32>
      %xor3A_691 = arith.xori %iota3A_681, %xor3A_690 : vector<16xi32>
      %broadcast_in_dim3A_692 = vector.shape_cast %xor3A_691 : vector<16xi32> to vector<16x1xi32>
      %gather3A_693 = vector.shape_cast %broadcast_in_dim3A_692 : vector<16x1xi32> to vector<16xi32>
      %gather3A_694 = tpu.dynamic_gather %add3A_688[%gather3A_693] in [0] : vector<16xf32>, vector<16xi32> -> vector<16xf32>
      %add3A_695 = arith.addf %add3A_688, %gather3A_694 : vector<16xf32>
      %xor3A_696 = arith.constant 2 : i32
      %xor3A_697 = vector.broadcast %xor3A_696 : i32 to vector<16xi32>
      %xor3A_698 = arith.xori %iota3A_681, %xor3A_697 : vector<16xi32>
      %broadcast_in_dim3A_699 = vector.shape_cast %xor3A_698 : vector<16xi32> to vector<16x1xi32>
      %gather3A_700 = vector.shape_cast %broadcast_in_dim3A_699 : vector<16x1xi32> to vector<16xi32>
      %gather3A_701 = tpu.dynamic_gather %add3A_695[%gather3A_700] in [0] : vector<16xf32>, vector<16xi32> -> vector<16xf32>
      %add3A_702 = arith.addf %add3A_695, %gather3A_701 : vector<16xf32>
      %xor3A_703 = arith.constant 1 : i32
      %xor3A_704 = vector.broadcast %xor3A_703 : i32 to vector<16xi32>
      %xor3A_705 = arith.xori %iota3A_681, %xor3A_704 : vector<16xi32>
      %broadcast_in_dim3A_706 = vector.shape_cast %xor3A_705 : vector<16xi32> to vector<16x1xi32>
      %gather3A_707 = vector.shape_cast %broadcast_in_dim3A_706 : vector<16x1xi32> to vector<16xi32>
      %gather3A_708 = tpu.dynamic_gather %add3A_702[%gather3A_707] in [0] : vector<16xf32>, vector<16xi32> -> vector<16xf32>
      %add3A_709 = arith.addf %add3A_702, %gather3A_708 : vector<16xf32>
      %max3A_710 = arith.constant 1.000000e-30 : f32
      %max3A_711 = vector.broadcast %max3A_710 : f32 to vector<16xf32>
      %max3A_712 = arith.maximumf %add3A_709, %max3A_711 : vector<16xf32>
      %bitcast_convert_type3A_713 = tpu.bitcast %max3A_712 : vector<16xf32> -> vector<16xi32>
      %shift_right_arithmetic3A_714 = arith.constant 1 : i32
      %shift_right_arithmetic3A_715 = vector.broadcast %shift_right_arithmetic3A_714 : i32 to vector<16xi32>
      %shift_right_arithmetic3A_716 = arith.shrsi %bitcast_convert_type3A_713, %shift_right_arithmetic3A_715 : vector<16xi32>
      %sub3A_717 = arith.constant 1597463007 : i32
      %sub3A_718 = vector.broadcast %sub3A_717 : i32 to vector<16xi32>
      %sub3A_719 = arith.subi %sub3A_718, %shift_right_arithmetic3A_716 : vector<16xi32>
      %bitcast_convert_type3A_720 = tpu.bitcast %sub3A_719 : vector<16xi32> -> vector<16xf32>
      %mul3A_721 = arith.constant 5.000000e-01 : f32
      %mul3A_722 = vector.broadcast %mul3A_721 : f32 to vector<16xf32>
      %mul3A_723 = arith.mulf %mul3A_722, %max3A_712 : vector<16xf32>
      %mul3A_724 = arith.mulf %mul3A_723, %bitcast_convert_type3A_720 : vector<16xf32>
      %mul3A_725 = arith.mulf %mul3A_724, %bitcast_convert_type3A_720 : vector<16xf32>
      %sub3A_726 = arith.constant 1.500000e+00 : f32
      %sub3A_727 = vector.broadcast %sub3A_726 : f32 to vector<16xf32>
      %sub3A_728 = arith.subf %sub3A_727, %mul3A_725 : vector<16xf32>
      %mul3A_729 = arith.mulf %bitcast_convert_type3A_720, %sub3A_728 : vector<16xf32>
      %mul3A_730 = arith.constant 5.000000e-01 : f32
      %mul3A_731 = vector.broadcast %mul3A_730 : f32 to vector<16xf32>
      %mul3A_732 = arith.mulf %mul3A_731, %max3A_712 : vector<16xf32>
      %mul3A_733 = arith.mulf %mul3A_732, %mul3A_729 : vector<16xf32>
      %mul3A_734 = arith.mulf %mul3A_733, %mul3A_729 : vector<16xf32>
      %sub3A_735 = arith.constant 1.500000e+00 : f32
      %sub3A_736 = vector.broadcast %sub3A_735 : f32 to vector<16xf32>
      %sub3A_737 = arith.subf %sub3A_736, %mul3A_734 : vector<16xf32>
      %mul3A_738 = arith.mulf %mul3A_729, %sub3A_737 : vector<16xf32>
      %mul3A_739 = arith.mulf %add3A_709, %mul3A_738 : vector<16xf32>
      %broadcast_in_dim3A_740 = vector.broadcast %scan3A_491 : i32 to vector<16xi32>
      tpu.vector_store_idx %arg14[%broadcast_in_dim3A_740], %mul3A_739 masked %eq3A_242 : memref<512xf32, #tpu.memory_space<vmem>>[vector<16xi32>], vector<16xf32>, vector<16xi1>
      %scan3A_741 = arith.constant 2 : i32
      %scan3A_742 = arith.addi %scan3A_248, %scan3A_741 : i32
      %get3A_743 = arith.index_cast %scan3A_742 : i32 to index
      %get3A_744 = arith.constant 0 : index
      %get3A_745 = tpu.vector_load %arg11[%get3A_743, %get3A_744] {strides = array<i32>} : memref<512x64xf32, #tpu.memory_space<vmem>>, vector<16xf32>,
      %get3A_746 = arith.index_cast %scan3A_742 : i32 to index
      %get3A_747 = arith.constant 16 : index
      %get3A_748 = tpu.vector_load %arg11[%get3A_746, %get3A_747] {strides = array<i32>} : memref<512x64xf32, #tpu.memory_space<vmem>>, vector<16xf32>,
      %get3A_749 = arith.index_cast %scan3A_742 : i32 to index
      %get3A_750 = arith.constant 32 : index
      %get3A_751 = tpu.vector_load %arg11[%get3A_749, %get3A_750] {strides = array<i32>} : memref<512x64xf32, #tpu.memory_space<vmem>>, vector<16xf32>,
      %get3A_752 = arith.index_cast %scan3A_742 : i32 to index
      %get3A_753 = arith.constant 48 : index
      %get3A_754 = tpu.vector_load %arg11[%get3A_752, %get3A_753] {strides = array<i32>} : memref<512x64xf32, #tpu.memory_space<vmem>>, vector<16xf32>,
      %get3A_755 = arith.index_cast %scan3A_742 : i32 to index
      %get3A_756 = arith.constant 0 : index
      %get3A_757 = tpu.vector_load %arg12[%get3A_755, %get3A_756] {strides = array<i32>} : memref<512x64xf32, #tpu.memory_space<vmem>>, vector<16xf32>,
      %get3A_758 = arith.index_cast %scan3A_742 : i32 to index
      %get3A_759 = arith.constant 16 : index
      %get3A_760 = tpu.vector_load %arg12[%get3A_758, %get3A_759] {strides = array<i32>} : memref<512x64xf32, #tpu.memory_space<vmem>>, vector<16xf32>,
      %get3A_761 = arith.index_cast %scan3A_742 : i32 to index
      %get3A_762 = arith.constant 32 : index
      %get3A_763 = tpu.vector_load %arg12[%get3A_761, %get3A_762] {strides = array<i32>} : memref<512x64xf32, #tpu.memory_space<vmem>>, vector<16xf32>,
      %get3A_764 = arith.index_cast %scan3A_742 : i32 to index
      %get3A_765 = arith.constant 48 : index
      %get3A_766 = tpu.vector_load %arg12[%get3A_764, %get3A_765] {strides = array<i32>} : memref<512x64xf32, #tpu.memory_space<vmem>>, vector<16xf32>,
      %get3A_767 = arith.index_cast %scan3A_742 : i32 to index
      %get3A_768 = arith.constant 0 : index
      %get3A_769 = tpu.vector_load %arg13[%get3A_767, %get3A_768] {strides = array<i32>} : memref<512x64xf32, #tpu.memory_space<vmem>>, vector<16xf32>,
      %get3A_770 = arith.index_cast %scan3A_742 : i32 to index
      %get3A_771 = arith.constant 16 : index
      %get3A_772 = tpu.vector_load %arg13[%get3A_770, %get3A_771] {strides = array<i32>} : memref<512x64xf32, #tpu.memory_space<vmem>>, vector<16xf32>,
      %get3A_773 = arith.index_cast %scan3A_742 : i32 to index
      %get3A_774 = arith.constant 32 : index
      %get3A_775 = tpu.vector_load %arg13[%get3A_773, %get3A_774] {strides = array<i32>} : memref<512x64xf32, #tpu.memory_space<vmem>>, vector<16xf32>,
      %get3A_776 = arith.index_cast %scan3A_742 : i32 to index
      %get3A_777 = arith.constant 48 : index
      %get3A_778 = tpu.vector_load %arg13[%get3A_776, %get3A_777] {strides = array<i32>} : memref<512x64xf32, #tpu.memory_space<vmem>>, vector<16xf32>,
      %mul3A_779 = arith.mulf %get3A_745, %get3A_745 : vector<16xf32>
      %mul3A_780 = arith.mulf %get3A_757, %get3A_757 : vector<16xf32>
      %mul3A_781 = arith.mulf %get3A_748, %get3A_748 : vector<16xf32>
      %add3A_782 = arith.addf %mul3A_779, %mul3A_781 : vector<16xf32>
      %mul3A_783 = arith.mulf %get3A_760, %get3A_760 : vector<16xf32>
      %add3A_784 = arith.addf %mul3A_780, %mul3A_783 : vector<16xf32>
      %mul3A_785 = arith.mulf %get3A_751, %get3A_751 : vector<16xf32>
      %add3A_786 = arith.addf %add3A_782, %mul3A_785 : vector<16xf32>
      %mul3A_787 = arith.mulf %get3A_763, %get3A_763 : vector<16xf32>
      %add3A_788 = arith.addf %add3A_784, %mul3A_787 : vector<16xf32>
      %mul3A_789 = arith.mulf %get3A_754, %get3A_754 : vector<16xf32>
      %add3A_790 = arith.addf %add3A_786, %mul3A_789 : vector<16xf32>
      %mul3A_791 = arith.mulf %get3A_766, %get3A_766 : vector<16xf32>
      %add3A_792 = arith.addf %add3A_788, %mul3A_791 : vector<16xf32>
      %iota3A_793 = tpu.iota {dimensions = array<i32: 0>} : vector<16xi32>
      %xor3A_794 = arith.constant 8 : i32
      %xor3A_795 = vector.broadcast %xor3A_794 : i32 to vector<16xi32>
      %xor3A_796 = arith.xori %iota3A_793, %xor3A_795 : vector<16xi32>
      %broadcast_in_dim3A_797 = vector.shape_cast %xor3A_796 : vector<16xi32> to vector<16x1xi32>
      %gather3A_798 = vector.shape_cast %broadcast_in_dim3A_797 : vector<16x1xi32> to vector<16xi32>
      %gather3A_799 = tpu.dynamic_gather %add3A_790[%gather3A_798] in [0] : vector<16xf32>, vector<16xi32> -> vector<16xf32>
      %add3A_800 = arith.addf %add3A_790, %gather3A_799 : vector<16xf32>
      %xor3A_801 = arith.constant 4 : i32
      %xor3A_802 = vector.broadcast %xor3A_801 : i32 to vector<16xi32>
      %xor3A_803 = arith.xori %iota3A_793, %xor3A_802 : vector<16xi32>
      %broadcast_in_dim3A_804 = vector.shape_cast %xor3A_803 : vector<16xi32> to vector<16x1xi32>
      %gather3A_805 = vector.shape_cast %broadcast_in_dim3A_804 : vector<16x1xi32> to vector<16xi32>
      %gather3A_806 = tpu.dynamic_gather %add3A_800[%gather3A_805] in [0] : vector<16xf32>, vector<16xi32> -> vector<16xf32>
      %add3A_807 = arith.addf %add3A_800, %gather3A_806 : vector<16xf32>
      %xor3A_808 = arith.constant 2 : i32
      %xor3A_809 = vector.broadcast %xor3A_808 : i32 to vector<16xi32>
      %xor3A_810 = arith.xori %iota3A_793, %xor3A_809 : vector<16xi32>
      %broadcast_in_dim3A_811 = vector.shape_cast %xor3A_810 : vector<16xi32> to vector<16x1xi32>
      %gather3A_812 = vector.shape_cast %broadcast_in_dim3A_811 : vector<16x1xi32> to vector<16xi32>
      %gather3A_813 = tpu.dynamic_gather %add3A_807[%gather3A_812] in [0] : vector<16xf32>, vector<16xi32> -> vector<16xf32>
      %add3A_814 = arith.addf %add3A_807, %gather3A_813 : vector<16xf32>
      %xor3A_815 = arith.constant 1 : i32
      %xor3A_816 = vector.broadcast %xor3A_815 : i32 to vector<16xi32>
      %xor3A_817 = arith.xori %iota3A_793, %xor3A_816 : vector<16xi32>
      %broadcast_in_dim3A_818 = vector.shape_cast %xor3A_817 : vector<16xi32> to vector<16x1xi32>
      %gather3A_819 = vector.shape_cast %broadcast_in_dim3A_818 : vector<16x1xi32> to vector<16xi32>
      %gather3A_820 = tpu.dynamic_gather %add3A_814[%gather3A_819] in [0] : vector<16xf32>, vector<16xi32> -> vector<16xf32>
      %add3A_821 = arith.addf %add3A_814, %gather3A_820 : vector<16xf32>
      %iota3A_822 = tpu.iota {dimensions = array<i32: 0>} : vector<16xi32>
      %xor3A_823 = arith.constant 8 : i32
      %xor3A_824 = vector.broadcast %xor3A_823 : i32 to vector<16xi32>
      %xor3A_825 = arith.xori %iota3A_822, %xor3A_824 : vector<16xi32>
      %broadcast_in_dim3A_826 = vector.shape_cast %xor3A_825 : vector<16xi32> to vector<16x1xi32>
      %gather3A_827 = vector.shape_cast %broadcast_in_dim3A_826 : vector<16x1xi32> to vector<16xi32>
      %gather3A_828 = tpu.dynamic_gather %add3A_792[%gather3A_827] in [0] : vector<16xf32>, vector<16xi32> -> vector<16xf32>
      %add3A_829 = arith.addf %add3A_792, %gather3A_828 : vector<16xf32>
      %xor3A_830 = arith.constant 4 : i32
      %xor3A_831 = vector.broadcast %xor3A_830 : i32 to vector<16xi32>
      %xor3A_832 = arith.xori %iota3A_822, %xor3A_831 : vector<16xi32>
      %broadcast_in_dim3A_833 = vector.shape_cast %xor3A_832 : vector<16xi32> to vector<16x1xi32>
      %gather3A_834 = vector.shape_cast %broadcast_in_dim3A_833 : vector<16x1xi32> to vector<16xi32>
      %gather3A_835 = tpu.dynamic_gather %add3A_829[%gather3A_834] in [0] : vector<16xf32>, vector<16xi32> -> vector<16xf32>
      %add3A_836 = arith.addf %add3A_829, %gather3A_835 : vector<16xf32>
      %xor3A_837 = arith.constant 2 : i32
      %xor3A_838 = vector.broadcast %xor3A_837 : i32 to vector<16xi32>
      %xor3A_839 = arith.xori %iota3A_822, %xor3A_838 : vector<16xi32>
      %broadcast_in_dim3A_840 = vector.shape_cast %xor3A_839 : vector<16xi32> to vector<16x1xi32>
      %gather3A_841 = vector.shape_cast %broadcast_in_dim3A_840 : vector<16x1xi32> to vector<16xi32>
      %gather3A_842 = tpu.dynamic_gather %add3A_836[%gather3A_841] in [0] : vector<16xf32>, vector<16xi32> -> vector<16xf32>
      %add3A_843 = arith.addf %add3A_836, %gather3A_842 : vector<16xf32>
      %xor3A_844 = arith.constant 1 : i32
      %xor3A_845 = vector.broadcast %xor3A_844 : i32 to vector<16xi32>
      %xor3A_846 = arith.xori %iota3A_822, %xor3A_845 : vector<16xi32>
      %broadcast_in_dim3A_847 = vector.shape_cast %xor3A_846 : vector<16xi32> to vector<16x1xi32>
      %gather3A_848 = vector.shape_cast %broadcast_in_dim3A_847 : vector<16x1xi32> to vector<16xi32>
      %gather3A_849 = tpu.dynamic_gather %add3A_843[%gather3A_848] in [0] : vector<16xf32>, vector<16xi32> -> vector<16xf32>
      %add3A_850 = arith.addf %add3A_843, %gather3A_849 : vector<16xf32>
      %max3A_851 = arith.constant 1.000000e-24 : f32
      %max3A_852 = vector.broadcast %max3A_851 : f32 to vector<16xf32>
      %max3A_853 = arith.maximumf %add3A_821, %max3A_852 : vector<16xf32>
      %bitcast_convert_type3A_854 = tpu.bitcast %max3A_853 : vector<16xf32> -> vector<16xi32>
      %shift_right_arithmetic3A_855 = arith.constant 1 : i32
      %shift_right_arithmetic3A_856 = vector.broadcast %shift_right_arithmetic3A_855 : i32 to vector<16xi32>
      %shift_right_arithmetic3A_857 = arith.shrsi %bitcast_convert_type3A_854, %shift_right_arithmetic3A_856 : vector<16xi32>
      %sub3A_858 = arith.constant 1597463007 : i32
      %sub3A_859 = vector.broadcast %sub3A_858 : i32 to vector<16xi32>
      %sub3A_860 = arith.subi %sub3A_859, %shift_right_arithmetic3A_857 : vector<16xi32>
      %bitcast_convert_type3A_861 = tpu.bitcast %sub3A_860 : vector<16xi32> -> vector<16xf32>
      %mul3A_862 = arith.constant 5.000000e-01 : f32
      %mul3A_863 = vector.broadcast %mul3A_862 : f32 to vector<16xf32>
      %mul3A_864 = arith.mulf %mul3A_863, %max3A_853 : vector<16xf32>
      %mul3A_865 = arith.mulf %mul3A_864, %bitcast_convert_type3A_861 : vector<16xf32>
      %mul3A_866 = arith.mulf %mul3A_865, %bitcast_convert_type3A_861 : vector<16xf32>
      %sub3A_867 = arith.constant 1.500000e+00 : f32
      %sub3A_868 = vector.broadcast %sub3A_867 : f32 to vector<16xf32>
      %sub3A_869 = arith.subf %sub3A_868, %mul3A_866 : vector<16xf32>
      %mul3A_870 = arith.mulf %bitcast_convert_type3A_861, %sub3A_869 : vector<16xf32>
      %mul3A_871 = arith.constant 5.000000e-01 : f32
      %mul3A_872 = vector.broadcast %mul3A_871 : f32 to vector<16xf32>
      %mul3A_873 = arith.mulf %mul3A_872, %max3A_853 : vector<16xf32>
      %mul3A_874 = arith.mulf %mul3A_873, %mul3A_870 : vector<16xf32>
      %mul3A_875 = arith.mulf %mul3A_874, %mul3A_870 : vector<16xf32>
      %sub3A_876 = arith.constant 1.500000e+00 : f32
      %sub3A_877 = vector.broadcast %sub3A_876 : f32 to vector<16xf32>
      %sub3A_878 = arith.subf %sub3A_877, %mul3A_875 : vector<16xf32>
      %mul3A_879 = arith.mulf %mul3A_870, %sub3A_878 : vector<16xf32>
      %max3A_880 = arith.constant 1.000000e-24 : f32
      %max3A_881 = vector.broadcast %max3A_880 : f32 to vector<16xf32>
      %max3A_882 = arith.maximumf %add3A_850, %max3A_881 : vector<16xf32>
      %bitcast_convert_type3A_883 = tpu.bitcast %max3A_882 : vector<16xf32> -> vector<16xi32>
      %shift_right_arithmetic3A_884 = arith.constant 1 : i32
      %shift_right_arithmetic3A_885 = vector.broadcast %shift_right_arithmetic3A_884 : i32 to vector<16xi32>
      %shift_right_arithmetic3A_886 = arith.shrsi %bitcast_convert_type3A_883, %shift_right_arithmetic3A_885 : vector<16xi32>
      %sub3A_887 = arith.constant 1597463007 : i32
      %sub3A_888 = vector.broadcast %sub3A_887 : i32 to vector<16xi32>
      %sub3A_889 = arith.subi %sub3A_888, %shift_right_arithmetic3A_886 : vector<16xi32>
      %bitcast_convert_type3A_890 = tpu.bitcast %sub3A_889 : vector<16xi32> -> vector<16xf32>
      %mul3A_891 = arith.constant 5.000000e-01 : f32
      %mul3A_892 = vector.broadcast %mul3A_891 : f32 to vector<16xf32>
      %mul3A_893 = arith.mulf %mul3A_892, %max3A_882 : vector<16xf32>
      %mul3A_894 = arith.mulf %mul3A_893, %bitcast_convert_type3A_890 : vector<16xf32>
      %mul3A_895 = arith.mulf %mul3A_894, %bitcast_convert_type3A_890 : vector<16xf32>
      %sub3A_896 = arith.constant 1.500000e+00 : f32
      %sub3A_897 = vector.broadcast %sub3A_896 : f32 to vector<16xf32>
      %sub3A_898 = arith.subf %sub3A_897, %mul3A_895 : vector<16xf32>
      %mul3A_899 = arith.mulf %bitcast_convert_type3A_890, %sub3A_898 : vector<16xf32>
      %mul3A_900 = arith.constant 5.000000e-01 : f32
      %mul3A_901 = vector.broadcast %mul3A_900 : f32 to vector<16xf32>
      %mul3A_902 = arith.mulf %mul3A_901, %max3A_882 : vector<16xf32>
      %mul3A_903 = arith.mulf %mul3A_902, %mul3A_899 : vector<16xf32>
      %mul3A_904 = arith.mulf %mul3A_903, %mul3A_899 : vector<16xf32>
      %sub3A_905 = arith.constant 1.500000e+00 : f32
      %sub3A_906 = vector.broadcast %sub3A_905 : f32 to vector<16xf32>
      %sub3A_907 = arith.subf %sub3A_906, %mul3A_904 : vector<16xf32>
      %mul3A_908 = arith.mulf %mul3A_899, %sub3A_907 : vector<16xf32>
      %mul3A_909 = arith.mulf %get3A_757, %mul3A_908 : vector<16xf32>
      %mul3A_910 = arith.mulf %get3A_745, %mul3A_879 : vector<16xf32>
      %sub3A_911 = arith.subf %mul3A_909, %mul3A_910 : vector<16xf32>
      %sub3A_912 = arith.subf %sub3A_911, %get3A_769 : vector<16xf32>
      %mul3A_913 = arith.mulf %sub3A_912, %sub3A_912 : vector<16xf32>
      %mul3A_914 = arith.mulf %get3A_760, %mul3A_908 : vector<16xf32>
      %mul3A_915 = arith.mulf %get3A_748, %mul3A_879 : vector<16xf32>
      %sub3A_916 = arith.subf %mul3A_914, %mul3A_915 : vector<16xf32>
      %sub3A_917 = arith.subf %sub3A_916, %get3A_772 : vector<16xf32>
      %mul3A_918 = arith.mulf %sub3A_917, %sub3A_917 : vector<16xf32>
      %add3A_919 = arith.addf %mul3A_913, %mul3A_918 : vector<16xf32>
      %mul3A_920 = arith.mulf %get3A_763, %mul3A_908 : vector<16xf32>
      %mul3A_921 = arith.mulf %get3A_751, %mul3A_879 : vector<16xf32>
      %sub3A_922 = arith.subf %mul3A_920, %mul3A_921 : vector<16xf32>
      %sub3A_923 = arith.subf %sub3A_922, %get3A_775 : vector<16xf32>
      %mul3A_924 = arith.mulf %sub3A_923, %sub3A_923 : vector<16xf32>
      %add3A_925 = arith.addf %add3A_919, %mul3A_924 : vector<16xf32>
      %mul3A_926 = arith.mulf %get3A_766, %mul3A_908 : vector<16xf32>
      %mul3A_927 = arith.mulf %get3A_754, %mul3A_879 : vector<16xf32>
      %sub3A_928 = arith.subf %mul3A_926, %mul3A_927 : vector<16xf32>
      %sub3A_929 = arith.subf %sub3A_928, %get3A_778 : vector<16xf32>
      %mul3A_930 = arith.mulf %sub3A_929, %sub3A_929 : vector<16xf32>
      %add3A_931 = arith.addf %add3A_925, %mul3A_930 : vector<16xf32>
      %iota3A_932 = tpu.iota {dimensions = array<i32: 0>} : vector<16xi32>
      %xor3A_933 = arith.constant 8 : i32
      %xor3A_934 = vector.broadcast %xor3A_933 : i32 to vector<16xi32>
      %xor3A_935 = arith.xori %iota3A_932, %xor3A_934 : vector<16xi32>
      %broadcast_in_dim3A_936 = vector.shape_cast %xor3A_935 : vector<16xi32> to vector<16x1xi32>
      %gather3A_937 = vector.shape_cast %broadcast_in_dim3A_936 : vector<16x1xi32> to vector<16xi32>
      %gather3A_938 = tpu.dynamic_gather %add3A_931[%gather3A_937] in [0] : vector<16xf32>, vector<16xi32> -> vector<16xf32>
      %add3A_939 = arith.addf %add3A_931, %gather3A_938 : vector<16xf32>
      %xor3A_940 = arith.constant 4 : i32
      %xor3A_941 = vector.broadcast %xor3A_940 : i32 to vector<16xi32>
      %xor3A_942 = arith.xori %iota3A_932, %xor3A_941 : vector<16xi32>
      %broadcast_in_dim3A_943 = vector.shape_cast %xor3A_942 : vector<16xi32> to vector<16x1xi32>
      %gather3A_944 = vector.shape_cast %broadcast_in_dim3A_943 : vector<16x1xi32> to vector<16xi32>
      %gather3A_945 = tpu.dynamic_gather %add3A_939[%gather3A_944] in [0] : vector<16xf32>, vector<16xi32> -> vector<16xf32>
      %add3A_946 = arith.addf %add3A_939, %gather3A_945 : vector<16xf32>
      %xor3A_947 = arith.constant 2 : i32
      %xor3A_948 = vector.broadcast %xor3A_947 : i32 to vector<16xi32>
      %xor3A_949 = arith.xori %iota3A_932, %xor3A_948 : vector<16xi32>
      %broadcast_in_dim3A_950 = vector.shape_cast %xor3A_949 : vector<16xi32> to vector<16x1xi32>
      %gather3A_951 = vector.shape_cast %broadcast_in_dim3A_950 : vector<16x1xi32> to vector<16xi32>
      %gather3A_952 = tpu.dynamic_gather %add3A_946[%gather3A_951] in [0] : vector<16xf32>, vector<16xi32> -> vector<16xf32>
      %add3A_953 = arith.addf %add3A_946, %gather3A_952 : vector<16xf32>
      %xor3A_954 = arith.constant 1 : i32
      %xor3A_955 = vector.broadcast %xor3A_954 : i32 to vector<16xi32>
      %xor3A_956 = arith.xori %iota3A_932, %xor3A_955 : vector<16xi32>
      %broadcast_in_dim3A_957 = vector.shape_cast %xor3A_956 : vector<16xi32> to vector<16x1xi32>
      %gather3A_958 = vector.shape_cast %broadcast_in_dim3A_957 : vector<16x1xi32> to vector<16xi32>
      %gather3A_959 = tpu.dynamic_gather %add3A_953[%gather3A_958] in [0] : vector<16xf32>, vector<16xi32> -> vector<16xf32>
      %add3A_960 = arith.addf %add3A_953, %gather3A_959 : vector<16xf32>
      %max3A_961 = arith.constant 1.000000e-30 : f32
      %max3A_962 = vector.broadcast %max3A_961 : f32 to vector<16xf32>
      %max3A_963 = arith.maximumf %add3A_960, %max3A_962 : vector<16xf32>
      %bitcast_convert_type3A_964 = tpu.bitcast %max3A_963 : vector<16xf32> -> vector<16xi32>
      %shift_right_arithmetic3A_965 = arith.constant 1 : i32
      %shift_right_arithmetic3A_966 = vector.broadcast %shift_right_arithmetic3A_965 : i32 to vector<16xi32>
      %shift_right_arithmetic3A_967 = arith.shrsi %bitcast_convert_type3A_964, %shift_right_arithmetic3A_966 : vector<16xi32>
      %sub3A_968 = arith.constant 1597463007 : i32
      %sub3A_969 = vector.broadcast %sub3A_968 : i32 to vector<16xi32>
      %sub3A_970 = arith.subi %sub3A_969, %shift_right_arithmetic3A_967 : vector<16xi32>
      %bitcast_convert_type3A_971 = tpu.bitcast %sub3A_970 : vector<16xi32> -> vector<16xf32>
      %mul3A_972 = arith.constant 5.000000e-01 : f32
      %mul3A_973 = vector.broadcast %mul3A_972 : f32 to vector<16xf32>
      %mul3A_974 = arith.mulf %mul3A_973, %max3A_963 : vector<16xf32>
      %mul3A_975 = arith.mulf %mul3A_974, %bitcast_convert_type3A_971 : vector<16xf32>
      %mul3A_976 = arith.mulf %mul3A_975, %bitcast_convert_type3A_971 : vector<16xf32>
      %sub3A_977 = arith.constant 1.500000e+00 : f32
      %sub3A_978 = vector.broadcast %sub3A_977 : f32 to vector<16xf32>
      %sub3A_979 = arith.subf %sub3A_978, %mul3A_976 : vector<16xf32>
      %mul3A_980 = arith.mulf %bitcast_convert_type3A_971, %sub3A_979 : vector<16xf32>
      %mul3A_981 = arith.constant 5.000000e-01 : f32
      %mul3A_982 = vector.broadcast %mul3A_981 : f32 to vector<16xf32>
      %mul3A_983 = arith.mulf %mul3A_982, %max3A_963 : vector<16xf32>
      %mul3A_984 = arith.mulf %mul3A_983, %mul3A_980 : vector<16xf32>
      %mul3A_985 = arith.mulf %mul3A_984, %mul3A_980 : vector<16xf32>
      %sub3A_986 = arith.constant 1.500000e+00 : f32
      %sub3A_987 = vector.broadcast %sub3A_986 : f32 to vector<16xf32>
      %sub3A_988 = arith.subf %sub3A_987, %mul3A_985 : vector<16xf32>
      %mul3A_989 = arith.mulf %mul3A_980, %sub3A_988 : vector<16xf32>
      %mul3A_990 = arith.mulf %add3A_960, %mul3A_989 : vector<16xf32>
      %broadcast_in_dim3A_991 = vector.broadcast %scan3A_742 : i32 to vector<16xi32>
      tpu.vector_store_idx %arg14[%broadcast_in_dim3A_991], %mul3A_990 masked %eq3A_242 : memref<512xf32, #tpu.memory_space<vmem>>[vector<16xi32>], vector<16xf32>, vector<16xi1>
      %scan3A_992 = arith.constant 3 : i32
      %scan3A_993 = arith.addi %scan3A_248, %scan3A_992 : i32
      %get3A_994 = arith.index_cast %scan3A_993 : i32 to index
      %get3A_995 = arith.constant 0 : index
      %get3A_996 = tpu.vector_load %arg11[%get3A_994, %get3A_995] {strides = array<i32>} : memref<512x64xf32, #tpu.memory_space<vmem>>, vector<16xf32>,
      %get3A_997 = arith.index_cast %scan3A_993 : i32 to index
      %get3A_998 = arith.constant 16 : index
      %get3A_999 = tpu.vector_load %arg11[%get3A_997, %get3A_998] {strides = array<i32>} : memref<512x64xf32, #tpu.memory_space<vmem>>, vector<16xf32>,
      %get3A_1000 = arith.index_cast %scan3A_993 : i32 to index
      %get3A_1001 = arith.constant 32 : index
      %get3A_1002 = tpu.vector_load %arg11[%get3A_1000, %get3A_1001] {strides = array<i32>} : memref<512x64xf32, #tpu.memory_space<vmem>>, vector<16xf32>,
      %get3A_1003 = arith.index_cast %scan3A_993 : i32 to index
      %get3A_1004 = arith.constant 48 : index
      %get3A_1005 = tpu.vector_load %arg11[%get3A_1003, %get3A_1004] {strides = array<i32>} : memref<512x64xf32, #tpu.memory_space<vmem>>, vector<16xf32>,
      %get3A_1006 = arith.index_cast %scan3A_993 : i32 to index
      %get3A_1007 = arith.constant 0 : index
      %get3A_1008 = tpu.vector_load %arg12[%get3A_1006, %get3A_1007] {strides = array<i32>} : memref<512x64xf32, #tpu.memory_space<vmem>>, vector<16xf32>,
      %get3A_1009 = arith.index_cast %scan3A_993 : i32 to index
      %get3A_1010 = arith.constant 16 : index
      %get3A_1011 = tpu.vector_load %arg12[%get3A_1009, %get3A_1010] {strides = array<i32>} : memref<512x64xf32, #tpu.memory_space<vmem>>, vector<16xf32>,
      %get3A_1012 = arith.index_cast %scan3A_993 : i32 to index
      %get3A_1013 = arith.constant 32 : index
      %get3A_1014 = tpu.vector_load %arg12[%get3A_1012, %get3A_1013] {strides = array<i32>} : memref<512x64xf32, #tpu.memory_space<vmem>>, vector<16xf32>,
      %get3A_1015 = arith.index_cast %scan3A_993 : i32 to index
      %get3A_1016 = arith.constant 48 : index
      %get3A_1017 = tpu.vector_load %arg12[%get3A_1015, %get3A_1016] {strides = array<i32>} : memref<512x64xf32, #tpu.memory_space<vmem>>, vector<16xf32>,
      %get3A_1018 = arith.index_cast %scan3A_993 : i32 to index
      %get3A_1019 = arith.constant 0 : index
      %get3A_1020 = tpu.vector_load %arg13[%get3A_1018, %get3A_1019] {strides = array<i32>} : memref<512x64xf32, #tpu.memory_space<vmem>>, vector<16xf32>,
      %get3A_1021 = arith.index_cast %scan3A_993 : i32 to index
      %get3A_1022 = arith.constant 16 : index
      %get3A_1023 = tpu.vector_load %arg13[%get3A_1021, %get3A_1022] {strides = array<i32>} : memref<512x64xf32, #tpu.memory_space<vmem>>, vector<16xf32>,
      %get3A_1024 = arith.index_cast %scan3A_993 : i32 to index
      %get3A_1025 = arith.constant 32 : index
      %get3A_1026 = tpu.vector_load %arg13[%get3A_1024, %get3A_1025] {strides = array<i32>} : memref<512x64xf32, #tpu.memory_space<vmem>>, vector<16xf32>,
      %get3A_1027 = arith.index_cast %scan3A_993 : i32 to index
      %get3A_1028 = arith.constant 48 : index
      %get3A_1029 = tpu.vector_load %arg13[%get3A_1027, %get3A_1028] {strides = array<i32>} : memref<512x64xf32, #tpu.memory_space<vmem>>, vector<16xf32>,
      %mul3A_1030 = arith.mulf %get3A_996, %get3A_996 : vector<16xf32>
      %mul3A_1031 = arith.mulf %get3A_1008, %get3A_1008 : vector<16xf32>
      %mul3A_1032 = arith.mulf %get3A_999, %get3A_999 : vector<16xf32>
      %add3A_1033 = arith.addf %mul3A_1030, %mul3A_1032 : vector<16xf32>
      %mul3A_1034 = arith.mulf %get3A_1011, %get3A_1011 : vector<16xf32>
      %add3A_1035 = arith.addf %mul3A_1031, %mul3A_1034 : vector<16xf32>
      %mul3A_1036 = arith.mulf %get3A_1002, %get3A_1002 : vector<16xf32>
      %add3A_1037 = arith.addf %add3A_1033, %mul3A_1036 : vector<16xf32>
      %mul3A_1038 = arith.mulf %get3A_1014, %get3A_1014 : vector<16xf32>
      %add3A_1039 = arith.addf %add3A_1035, %mul3A_1038 : vector<16xf32>
      %mul3A_1040 = arith.mulf %get3A_1005, %get3A_1005 : vector<16xf32>
      %add3A_1041 = arith.addf %add3A_1037, %mul3A_1040 : vector<16xf32>
      %mul3A_1042 = arith.mulf %get3A_1017, %get3A_1017 : vector<16xf32>
      %add3A_1043 = arith.addf %add3A_1039, %mul3A_1042 : vector<16xf32>
      %iota3A_1044 = tpu.iota {dimensions = array<i32: 0>} : vector<16xi32>
      %xor3A_1045 = arith.constant 8 : i32
      %xor3A_1046 = vector.broadcast %xor3A_1045 : i32 to vector<16xi32>
      %xor3A_1047 = arith.xori %iota3A_1044, %xor3A_1046 : vector<16xi32>
      %broadcast_in_dim3A_1048 = vector.shape_cast %xor3A_1047 : vector<16xi32> to vector<16x1xi32>
      %gather3A_1049 = vector.shape_cast %broadcast_in_dim3A_1048 : vector<16x1xi32> to vector<16xi32>
      %gather3A_1050 = tpu.dynamic_gather %add3A_1041[%gather3A_1049] in [0] : vector<16xf32>, vector<16xi32> -> vector<16xf32>
      %add3A_1051 = arith.addf %add3A_1041, %gather3A_1050 : vector<16xf32>
      %xor3A_1052 = arith.constant 4 : i32
      %xor3A_1053 = vector.broadcast %xor3A_1052 : i32 to vector<16xi32>
      %xor3A_1054 = arith.xori %iota3A_1044, %xor3A_1053 : vector<16xi32>
      %broadcast_in_dim3A_1055 = vector.shape_cast %xor3A_1054 : vector<16xi32> to vector<16x1xi32>
      %gather3A_1056 = vector.shape_cast %broadcast_in_dim3A_1055 : vector<16x1xi32> to vector<16xi32>
      %gather3A_1057 = tpu.dynamic_gather %add3A_1051[%gather3A_1056] in [0] : vector<16xf32>, vector<16xi32> -> vector<16xf32>
      %add3A_1058 = arith.addf %add3A_1051, %gather3A_1057 : vector<16xf32>
      %xor3A_1059 = arith.constant 2 : i32
      %xor3A_1060 = vector.broadcast %xor3A_1059 : i32 to vector<16xi32>
      %xor3A_1061 = arith.xori %iota3A_1044, %xor3A_1060 : vector<16xi32>
      %broadcast_in_dim3A_1062 = vector.shape_cast %xor3A_1061 : vector<16xi32> to vector<16x1xi32>
      %gather3A_1063 = vector.shape_cast %broadcast_in_dim3A_1062 : vector<16x1xi32> to vector<16xi32>
      %gather3A_1064 = tpu.dynamic_gather %add3A_1058[%gather3A_1063] in [0] : vector<16xf32>, vector<16xi32> -> vector<16xf32>
      %add3A_1065 = arith.addf %add3A_1058, %gather3A_1064 : vector<16xf32>
      %xor3A_1066 = arith.constant 1 : i32
      %xor3A_1067 = vector.broadcast %xor3A_1066 : i32 to vector<16xi32>
      %xor3A_1068 = arith.xori %iota3A_1044, %xor3A_1067 : vector<16xi32>
      %broadcast_in_dim3A_1069 = vector.shape_cast %xor3A_1068 : vector<16xi32> to vector<16x1xi32>
      %gather3A_1070 = vector.shape_cast %broadcast_in_dim3A_1069 : vector<16x1xi32> to vector<16xi32>
      %gather3A_1071 = tpu.dynamic_gather %add3A_1065[%gather3A_1070] in [0] : vector<16xf32>, vector<16xi32> -> vector<16xf32>
      %add3A_1072 = arith.addf %add3A_1065, %gather3A_1071 : vector<16xf32>
      %iota3A_1073 = tpu.iota {dimensions = array<i32: 0>} : vector<16xi32>
      %xor3A_1074 = arith.constant 8 : i32
      %xor3A_1075 = vector.broadcast %xor3A_1074 : i32 to vector<16xi32>
      %xor3A_1076 = arith.xori %iota3A_1073, %xor3A_1075 : vector<16xi32>
      %broadcast_in_dim3A_1077 = vector.shape_cast %xor3A_1076 : vector<16xi32> to vector<16x1xi32>
      %gather3A_1078 = vector.shape_cast %broadcast_in_dim3A_1077 : vector<16x1xi32> to vector<16xi32>
      %gather3A_1079 = tpu.dynamic_gather %add3A_1043[%gather3A_1078] in [0] : vector<16xf32>, vector<16xi32> -> vector<16xf32>
      %add3A_1080 = arith.addf %add3A_1043, %gather3A_1079 : vector<16xf32>
      %xor3A_1081 = arith.constant 4 : i32
      %xor3A_1082 = vector.broadcast %xor3A_1081 : i32 to vector<16xi32>
      %xor3A_1083 = arith.xori %iota3A_1073, %xor3A_1082 : vector<16xi32>
      %broadcast_in_dim3A_1084 = vector.shape_cast %xor3A_1083 : vector<16xi32> to vector<16x1xi32>
      %gather3A_1085 = vector.shape_cast %broadcast_in_dim3A_1084 : vector<16x1xi32> to vector<16xi32>
      %gather3A_1086 = tpu.dynamic_gather %add3A_1080[%gather3A_1085] in [0] : vector<16xf32>, vector<16xi32> -> vector<16xf32>
      %add3A_1087 = arith.addf %add3A_1080, %gather3A_1086 : vector<16xf32>
      %xor3A_1088 = arith.constant 2 : i32
      %xor3A_1089 = vector.broadcast %xor3A_1088 : i32 to vector<16xi32>
      %xor3A_1090 = arith.xori %iota3A_1073, %xor3A_1089 : vector<16xi32>
      %broadcast_in_dim3A_1091 = vector.shape_cast %xor3A_1090 : vector<16xi32> to vector<16x1xi32>
      %gather3A_1092 = vector.shape_cast %broadcast_in_dim3A_1091 : vector<16x1xi32> to vector<16xi32>
      %gather3A_1093 = tpu.dynamic_gather %add3A_1087[%gather3A_1092] in [0] : vector<16xf32>, vector<16xi32> -> vector<16xf32>
      %add3A_1094 = arith.addf %add3A_1087, %gather3A_1093 : vector<16xf32>
      %xor3A_1095 = arith.constant 1 : i32
      %xor3A_1096 = vector.broadcast %xor3A_1095 : i32 to vector<16xi32>
      %xor3A_1097 = arith.xori %iota3A_1073, %xor3A_1096 : vector<16xi32>
      %broadcast_in_dim3A_1098 = vector.shape_cast %xor3A_1097 : vector<16xi32> to vector<16x1xi32>
      %gather3A_1099 = vector.shape_cast %broadcast_in_dim3A_1098 : vector<16x1xi32> to vector<16xi32>
      %gather3A_1100 = tpu.dynamic_gather %add3A_1094[%gather3A_1099] in [0] : vector<16xf32>, vector<16xi32> -> vector<16xf32>
      %add3A_1101 = arith.addf %add3A_1094, %gather3A_1100 : vector<16xf32>
      %max3A_1102 = arith.constant 1.000000e-24 : f32
      %max3A_1103 = vector.broadcast %max3A_1102 : f32 to vector<16xf32>
      %max3A_1104 = arith.maximumf %add3A_1072, %max3A_1103 : vector<16xf32>
      %bitcast_convert_type3A_1105 = tpu.bitcast %max3A_1104 : vector<16xf32> -> vector<16xi32>
      %shift_right_arithmetic3A_1106 = arith.constant 1 : i32
      %shift_right_arithmetic3A_1107 = vector.broadcast %shift_right_arithmetic3A_1106 : i32 to vector<16xi32>
      %shift_right_arithmetic3A_1108 = arith.shrsi %bitcast_convert_type3A_1105, %shift_right_arithmetic3A_1107 : vector<16xi32>
      %sub3A_1109 = arith.constant 1597463007 : i32
      %sub3A_1110 = vector.broadcast %sub3A_1109 : i32 to vector<16xi32>
      %sub3A_1111 = arith.subi %sub3A_1110, %shift_right_arithmetic3A_1108 : vector<16xi32>
      %bitcast_convert_type3A_1112 = tpu.bitcast %sub3A_1111 : vector<16xi32> -> vector<16xf32>
      %mul3A_1113 = arith.constant 5.000000e-01 : f32
      %mul3A_1114 = vector.broadcast %mul3A_1113 : f32 to vector<16xf32>
      %mul3A_1115 = arith.mulf %mul3A_1114, %max3A_1104 : vector<16xf32>
      %mul3A_1116 = arith.mulf %mul3A_1115, %bitcast_convert_type3A_1112 : vector<16xf32>
      %mul3A_1117 = arith.mulf %mul3A_1116, %bitcast_convert_type3A_1112 : vector<16xf32>
      %sub3A_1118 = arith.constant 1.500000e+00 : f32
      %sub3A_1119 = vector.broadcast %sub3A_1118 : f32 to vector<16xf32>
      %sub3A_1120 = arith.subf %sub3A_1119, %mul3A_1117 : vector<16xf32>
      %mul3A_1121 = arith.mulf %bitcast_convert_type3A_1112, %sub3A_1120 : vector<16xf32>
      %mul3A_1122 = arith.constant 5.000000e-01 : f32
      %mul3A_1123 = vector.broadcast %mul3A_1122 : f32 to vector<16xf32>
      %mul3A_1124 = arith.mulf %mul3A_1123, %max3A_1104 : vector<16xf32>
      %mul3A_1125 = arith.mulf %mul3A_1124, %mul3A_1121 : vector<16xf32>
      %mul3A_1126 = arith.mulf %mul3A_1125, %mul3A_1121 : vector<16xf32>
      %sub3A_1127 = arith.constant 1.500000e+00 : f32
      %sub3A_1128 = vector.broadcast %sub3A_1127 : f32 to vector<16xf32>
      %sub3A_1129 = arith.subf %sub3A_1128, %mul3A_1126 : vector<16xf32>
      %mul3A_1130 = arith.mulf %mul3A_1121, %sub3A_1129 : vector<16xf32>
      %max3A_1131 = arith.constant 1.000000e-24 : f32
      %max3A_1132 = vector.broadcast %max3A_1131 : f32 to vector<16xf32>
      %max3A_1133 = arith.maximumf %add3A_1101, %max3A_1132 : vector<16xf32>
      %bitcast_convert_type3A_1134 = tpu.bitcast %max3A_1133 : vector<16xf32> -> vector<16xi32>
      %shift_right_arithmetic3A_1135 = arith.constant 1 : i32
      %shift_right_arithmetic3A_1136 = vector.broadcast %shift_right_arithmetic3A_1135 : i32 to vector<16xi32>
      %shift_right_arithmetic3A_1137 = arith.shrsi %bitcast_convert_type3A_1134, %shift_right_arithmetic3A_1136 : vector<16xi32>
      %sub3A_1138 = arith.constant 1597463007 : i32
      %sub3A_1139 = vector.broadcast %sub3A_1138 : i32 to vector<16xi32>
      %sub3A_1140 = arith.subi %sub3A_1139, %shift_right_arithmetic3A_1137 : vector<16xi32>
      %bitcast_convert_type3A_1141 = tpu.bitcast %sub3A_1140 : vector<16xi32> -> vector<16xf32>
      %mul3A_1142 = arith.constant 5.000000e-01 : f32
      %mul3A_1143 = vector.broadcast %mul3A_1142 : f32 to vector<16xf32>
      %mul3A_1144 = arith.mulf %mul3A_1143, %max3A_1133 : vector<16xf32>
      %mul3A_1145 = arith.mulf %mul3A_1144, %bitcast_convert_type3A_1141 : vector<16xf32>
      %mul3A_1146 = arith.mulf %mul3A_1145, %bitcast_convert_type3A_1141 : vector<16xf32>
      %sub3A_1147 = arith.constant 1.500000e+00 : f32
      %sub3A_1148 = vector.broadcast %sub3A_1147 : f32 to vector<16xf32>
      %sub3A_1149 = arith.subf %sub3A_1148, %mul3A_1146 : vector<16xf32>
      %mul3A_1150 = arith.mulf %bitcast_convert_type3A_1141, %sub3A_1149 : vector<16xf32>
      %mul3A_1151 = arith.constant 5.000000e-01 : f32
      %mul3A_1152 = vector.broadcast %mul3A_1151 : f32 to vector<16xf32>
      %mul3A_1153 = arith.mulf %mul3A_1152, %max3A_1133 : vector<16xf32>
      %mul3A_1154 = arith.mulf %mul3A_1153, %mul3A_1150 : vector<16xf32>
      %mul3A_1155 = arith.mulf %mul3A_1154, %mul3A_1150 : vector<16xf32>
      %sub3A_1156 = arith.constant 1.500000e+00 : f32
      %sub3A_1157 = vector.broadcast %sub3A_1156 : f32 to vector<16xf32>
      %sub3A_1158 = arith.subf %sub3A_1157, %mul3A_1155 : vector<16xf32>
      %mul3A_1159 = arith.mulf %mul3A_1150, %sub3A_1158 : vector<16xf32>
      %mul3A_1160 = arith.mulf %get3A_1008, %mul3A_1159 : vector<16xf32>
      %mul3A_1161 = arith.mulf %get3A_996, %mul3A_1130 : vector<16xf32>
      %sub3A_1162 = arith.subf %mul3A_1160, %mul3A_1161 : vector<16xf32>
      %sub3A_1163 = arith.subf %sub3A_1162, %get3A_1020 : vector<16xf32>
      %mul3A_1164 = arith.mulf %sub3A_1163, %sub3A_1163 : vector<16xf32>
      %mul3A_1165 = arith.mulf %get3A_1011, %mul3A_1159 : vector<16xf32>
      %mul3A_1166 = arith.mulf %get3A_999, %mul3A_1130 : vector<16xf32>
      %sub3A_1167 = arith.subf %mul3A_1165, %mul3A_1166 : vector<16xf32>
      %sub3A_1168 = arith.subf %sub3A_1167, %get3A_1023 : vector<16xf32>
      %mul3A_1169 = arith.mulf %sub3A_1168, %sub3A_1168 : vector<16xf32>
      %add3A_1170 = arith.addf %mul3A_1164, %mul3A_1169 : vector<16xf32>
      %mul3A_1171 = arith.mulf %get3A_1014, %mul3A_1159 : vector<16xf32>
      %mul3A_1172 = arith.mulf %get3A_1002, %mul3A_1130 : vector<16xf32>
      %sub3A_1173 = arith.subf %mul3A_1171, %mul3A_1172 : vector<16xf32>
      %sub3A_1174 = arith.subf %sub3A_1173, %get3A_1026 : vector<16xf32>
      %mul3A_1175 = arith.mulf %sub3A_1174, %sub3A_1174 : vector<16xf32>
      %add3A_1176 = arith.addf %add3A_1170, %mul3A_1175 : vector<16xf32>
      %mul3A_1177 = arith.mulf %get3A_1017, %mul3A_1159 : vector<16xf32>
      %mul3A_1178 = arith.mulf %get3A_1005, %mul3A_1130 : vector<16xf32>
      %sub3A_1179 = arith.subf %mul3A_1177, %mul3A_1178 : vector<16xf32>
      %sub3A_1180 = arith.subf %sub3A_1179, %get3A_1029 : vector<16xf32>
      %mul3A_1181 = arith.mulf %sub3A_1180, %sub3A_1180 : vector<16xf32>
      %add3A_1182 = arith.addf %add3A_1176, %mul3A_1181 : vector<16xf32>
      %iota3A_1183 = tpu.iota {dimensions = array<i32: 0>} : vector<16xi32>
      %xor3A_1184 = arith.constant 8 : i32
      %xor3A_1185 = vector.broadcast %xor3A_1184 : i32 to vector<16xi32>
      %xor3A_1186 = arith.xori %iota3A_1183, %xor3A_1185 : vector<16xi32>
      %broadcast_in_dim3A_1187 = vector.shape_cast %xor3A_1186 : vector<16xi32> to vector<16x1xi32>
      %gather3A_1188 = vector.shape_cast %broadcast_in_dim3A_1187 : vector<16x1xi32> to vector<16xi32>
      %gather3A_1189 = tpu.dynamic_gather %add3A_1182[%gather3A_1188] in [0] : vector<16xf32>, vector<16xi32> -> vector<16xf32>
      %add3A_1190 = arith.addf %add3A_1182, %gather3A_1189 : vector<16xf32>
      %xor3A_1191 = arith.constant 4 : i32
      %xor3A_1192 = vector.broadcast %xor3A_1191 : i32 to vector<16xi32>
      %xor3A_1193 = arith.xori %iota3A_1183, %xor3A_1192 : vector<16xi32>
      %broadcast_in_dim3A_1194 = vector.shape_cast %xor3A_1193 : vector<16xi32> to vector<16x1xi32>
      %gather3A_1195 = vector.shape_cast %broadcast_in_dim3A_1194 : vector<16x1xi32> to vector<16xi32>
      %gather3A_1196 = tpu.dynamic_gather %add3A_1190[%gather3A_1195] in [0] : vector<16xf32>, vector<16xi32> -> vector<16xf32>
      %add3A_1197 = arith.addf %add3A_1190, %gather3A_1196 : vector<16xf32>
      %xor3A_1198 = arith.constant 2 : i32
      %xor3A_1199 = vector.broadcast %xor3A_1198 : i32 to vector<16xi32>
      %xor3A_1200 = arith.xori %iota3A_1183, %xor3A_1199 : vector<16xi32>
      %broadcast_in_dim3A_1201 = vector.shape_cast %xor3A_1200 : vector<16xi32> to vector<16x1xi32>
      %gather3A_1202 = vector.shape_cast %broadcast_in_dim3A_1201 : vector<16x1xi32> to vector<16xi32>
      %gather3A_1203 = tpu.dynamic_gather %add3A_1197[%gather3A_1202] in [0] : vector<16xf32>, vector<16xi32> -> vector<16xf32>
      %add3A_1204 = arith.addf %add3A_1197, %gather3A_1203 : vector<16xf32>
      %xor3A_1205 = arith.constant 1 : i32
      %xor3A_1206 = vector.broadcast %xor3A_1205 : i32 to vector<16xi32>
      %xor3A_1207 = arith.xori %iota3A_1183, %xor3A_1206 : vector<16xi32>
      %broadcast_in_dim3A_1208 = vector.shape_cast %xor3A_1207 : vector<16xi32> to vector<16x1xi32>
      %gather3A_1209 = vector.shape_cast %broadcast_in_dim3A_1208 : vector<16x1xi32> to vector<16xi32>
      %gather3A_1210 = tpu.dynamic_gather %add3A_1204[%gather3A_1209] in [0] : vector<16xf32>, vector<16xi32> -> vector<16xf32>
      %add3A_1211 = arith.addf %add3A_1204, %gather3A_1210 : vector<16xf32>
      %max3A_1212 = arith.constant 1.000000e-30 : f32
      %max3A_1213 = vector.broadcast %max3A_1212 : f32 to vector<16xf32>
      %max3A_1214 = arith.maximumf %add3A_1211, %max3A_1213 : vector<16xf32>
      %bitcast_convert_type3A_1215 = tpu.bitcast %max3A_1214 : vector<16xf32> -> vector<16xi32>
      %shift_right_arithmetic3A_1216 = arith.constant 1 : i32
      %shift_right_arithmetic3A_1217 = vector.broadcast %shift_right_arithmetic3A_1216 : i32 to vector<16xi32>
      %shift_right_arithmetic3A_1218 = arith.shrsi %bitcast_convert_type3A_1215, %shift_right_arithmetic3A_1217 : vector<16xi32>
      %sub3A_1219 = arith.constant 1597463007 : i32
      %sub3A_1220 = vector.broadcast %sub3A_1219 : i32 to vector<16xi32>
      %sub3A_1221 = arith.subi %sub3A_1220, %shift_right_arithmetic3A_1218 : vector<16xi32>
      %bitcast_convert_type3A_1222 = tpu.bitcast %sub3A_1221 : vector<16xi32> -> vector<16xf32>
      %mul3A_1223 = arith.constant 5.000000e-01 : f32
      %mul3A_1224 = vector.broadcast %mul3A_1223 : f32 to vector<16xf32>
      %mul3A_1225 = arith.mulf %mul3A_1224, %max3A_1214 : vector<16xf32>
      %mul3A_1226 = arith.mulf %mul3A_1225, %bitcast_convert_type3A_1222 : vector<16xf32>
      %mul3A_1227 = arith.mulf %mul3A_1226, %bitcast_convert_type3A_1222 : vector<16xf32>
      %sub3A_1228 = arith.constant 1.500000e+00 : f32
      %sub3A_1229 = vector.broadcast %sub3A_1228 : f32 to vector<16xf32>
      %sub3A_1230 = arith.subf %sub3A_1229, %mul3A_1227 : vector<16xf32>
      %mul3A_1231 = arith.mulf %bitcast_convert_type3A_1222, %sub3A_1230 : vector<16xf32>
      %mul3A_1232 = arith.constant 5.000000e-01 : f32
      %mul3A_1233 = vector.broadcast %mul3A_1232 : f32 to vector<16xf32>
      %mul3A_1234 = arith.mulf %mul3A_1233, %max3A_1214 : vector<16xf32>
      %mul3A_1235 = arith.mulf %mul3A_1234, %mul3A_1231 : vector<16xf32>
      %mul3A_1236 = arith.mulf %mul3A_1235, %mul3A_1231 : vector<16xf32>
      %sub3A_1237 = arith.constant 1.500000e+00 : f32
      %sub3A_1238 = vector.broadcast %sub3A_1237 : f32 to vector<16xf32>
      %sub3A_1239 = arith.subf %sub3A_1238, %mul3A_1236 : vector<16xf32>
      %mul3A_1240 = arith.mulf %mul3A_1231, %sub3A_1239 : vector<16xf32>
      %mul3A_1241 = arith.mulf %add3A_1211, %mul3A_1240 : vector<16xf32>
      %broadcast_in_dim3A_1242 = vector.broadcast %scan3A_993 : i32 to vector<16xi32>
      tpu.vector_store_idx %arg14[%broadcast_in_dim3A_1242], %mul3A_1241 masked %eq3A_242 : memref<512xf32, #tpu.memory_space<vmem>>[vector<16xi32>], vector<16xf32>, vector<16xi1>
    }
    %scan3A_247 = arith.constant 512 : i32
    "tpu.region"() ({
      %run_scoped3A = tpu.sem_alloc : memref<!tpu.dma_semaphore, #tpu.memory_space<semaphore_mem>>
      %dma_start3A_248 = tpu.memref_slice %arg7[%mul3A_2] : memref<16384xf32, #tpu.memory_space<hbm>> -> memref<512xf32, #tpu.memory_space<hbm>>
      %dma_start3A_249 = tpu.memref_slice %arg7[%mul3A_2] : memref<16384xf32, #tpu.memory_space<hbm>> -> memref<512xf32, #tpu.memory_space<hbm>>
      tpu.enqueue_dma source(%arg14 : memref<512xf32, #tpu.memory_space<vmem>>) target(%dma_start3A_249 : memref<512xf32, #tpu.memory_space<hbm>>) target_semaphore(%run_scoped3A : memref<!tpu.dma_semaphore, #tpu.memory_space<semaphore_mem>>)
      %dma_wait3A_250 = tpu.memref_slice %arg7[%mul3A_2] : memref<16384xf32, #tpu.memory_space<hbm>> -> memref<512xf32, #tpu.memory_space<hbm>>
      %dma_wait3A_251 = tpu.memref_slice %arg7[%mul3A_2] : memref<16384xf32, #tpu.memory_space<hbm>> -> memref<512xf32, #tpu.memory_space<hbm>>
      tpu.wait_dma2 semaphore(%run_scoped3A : memref<!tpu.dma_semaphore, #tpu.memory_space<semaphore_mem>>) src(%arg14 : memref<512xf32, #tpu.memory_space<vmem>>) dst(%dma_wait3A_251 : memref<512xf32, #tpu.memory_space<hbm>>)
      tpu.yield
    }) : () -> ()
    return
  }
}

</mosaic_0001>

<sc_bundles>
// kernel: _run.3.cloned.1.call-start
scs
__scs_entry_jumppad:
0x0: {  	(pc) =	sbr.rel $0x88, $3  }
0x1: {  	(tag) =	ssettag $0x0;
	lr =	simm.s32 $0x1  }
0x2: {  	[smem:$0x3F9C] =	sst lr;
	_ =	strace $0xD0000000  }
0x3: {  	_ = 	snop  }
0x4: {  	_ = 	snop  }
0x5: {  	_ = 	snop  }
0x6: {  	_ = 	snop  }
0x7: {  	_ = 	snop  }
__scs_overlays_trampoline_lowered:
0x8: {  	[smem:$0x3FAB] =	sst s0  }
0x9: {  	[smem:$0x3FAC] =	sst s1  }
0xa: {  	[smem:$0x3FAD] =	sst s2  }
0xb: {  	[smem:$0x3FAE] =	sst s3  }
0xc: {  	[smem:$0x3FAF] =	sst s4  }
0xd: {  	[smem:$0x3FB0] =	sst s5  }
0xe: {  	[smem:$0x3FB1] =	sst s6  }
0xf: {  	[smem:$0x3FB2] =	sst s7  }
0x10: {  	[smem:$0x3FB3] =	sst s8  }
0x11: {  	[smem:$0x3FB4] =	sst s9;
	s0 =	simm.s32 @!p0 $0x0  }
0x12: {  	s1 =	sld [smem:$0x3F9A];
	s0 =	simm.s32 @p0 $0x1  }
0x13: {  	[smem:$0x3FB5] =	sst s0;
	s0 =	simm.s32 @!p1 $0x0  }
0x14: {  	s2 =	sld [smem:$0x3F99];
	s0 =	simm.s32 @p1 $0x1  }
0x15: {  	[smem:$0x3FB6] =	sst s0;
	s0 =	simm.s32 @!p2 $0x0  }
0x16: {  	s3 =	sld [smem:$0x3FDB];
	s0 =	simm.s32 @p2 $0x1  }
0x17: {  	s4 =	simm.s32 $0x1BF5;
	[smem:$0x3FB8] =	sst s0  }
0x18: {  	s0 =	sld [smem:$0x3F9B];
	_ =	swait.ge [sflag:s4], $0x0  }
0x19: {  	s7 =	sld [smem:$0x3F9C]  }
0x1a: {  	s8 =	sadd.s32 $0xFFFFE003, lr  }
0x1b: {  	s9 =	sadd.s32 $0xFFFFFEF7, lr;
	s5 =	simm.s32 $0xFFFFFFFF;
	p2 =	slt.u32 s8, $0xFFFFF086  }
0x1c: {  	p1 =	slt.u32 s9, $0xF7A;
	s5 =	simm.s32 @!p2 $0x0  }
0x1d: {  	s5 =	simm.s32 @p1 $0x1;
	p0 =	seq.s32 s7, s2  }
0x1e: {  	s7 =	smul.u32 @!p0 $0xF7A, s2;
	p2 =	seq.s32 @!p0 s5, $0x0  }
0x1f: {  	s9 =	smul.u32 $0xF7A, s1;
	s8 =	simm.s32 @!p0 $0x1BF5;
	p2 =	por !p2, p0  }
0x20: {  	[sflag:s8] =	ssyncset.s32 @!p0 $0xFFFFF086;
	s6 =	sadd.s32 @!p0 s3, s7;
	s7 =	simm.s32 @!p0 $0x108  }
0x21: {  	s3 =	sadd.s32 s3, s9;
	s6 =	sadd.s32 @!p0 $0x88, s6;
	s7 =	simm.s32 @p2 $0x1082  }
0x22: {  	[simem:s7], [sflag:s8] =	dma.local @!p0 [hbm:s6], $0xF7A  }
0x23: {  	s9 =	sor.u32 $0xD0000000, s2;
	s6 =	simm.s32 $0x108;
	_ =	swait.ge @!p0 [sflag:s8], $0x0  }
0x24: {  	s3 =	sadd.s32 $0x88, s3;
	s6 =	simm.s32 @!p1 $0x1082;
	[sflag:s4] =	ssyncset.s32 $0xFFFFF086  }
0x25: {  	[simem:s6], [sflag:s4] =	dma.local [hbm:s3], $0xF7A  }
0x26: {  	[smem:$0x3F9C] =	sst s1;
	(tag) =	ssettag s2;
	_ =	strace s9  }
0x27: {  	s1 =	sld [smem:$0x3FAC]  }
0x28: {  	s2 =	sld [smem:$0x3FAD]  }
0x29: {  	s4 =	sld [smem:$0x3FAF]  }
0x2a: {  	p0 =	seq.s32 s5, $0x0;
	s5 =	sld [smem:$0x3FB0]  }
0x2b: {  	s6 =	sld [smem:$0x3FB1]  }
0x2c: {  	s7 =	sld [smem:$0x3FB2]  }
0x2d: {  	s3 =	simm.s32 $0x108;
	s8 =	sld [smem:$0x3FB3]  }
0x2e: {  	s3 =	simm.s32 @!p0 $0x1082;
	s9 =	sld [smem:$0x3FB4]  }
0x2f: {  	lr =	sadd.s32 s0, s3;
	s0 =	sld [smem:$0x3FAB]  }
0x30: {  	s3 =	sld [smem:$0x3FAE]  }
0x31: {  	[smem:$0x3FB7] =	sst s10  }
0x32: {  	s10 =	sld [smem:$0x3FB5];
	_ =	sdelay $0x3  }
0x33: {  	p0 =	seq.s32 s10, $0x1;
	s10 =	sld [smem:$0x3FB7];
	_ =	sdelay $0x3  }
0x34: {  	[smem:$0x3FB7] =	sst s10  }
0x35: {  	s10 =	sld [smem:$0x3FB6];
	_ =	sdelay $0x3  }
0x36: {  	p1 =	seq.s32 s10, $0x1;
	s10 =	sld [smem:$0x3FB7];
	_ =	sdelay $0x3  }
0x37: {  	[smem:$0x3FB7] =	sst s10  }
0x38: {  	s10 =	sld [smem:$0x3FB8]  }
0x39: {  	_ = 	snop;
	(pc) =	sbr.ind lr, $3  }
0x3a: {  	_ = 	snop  }
0x3b: {  	_ = 	snop  }
0x3c: {  	p2 =	seq.s32 s10, $0x1;
	s10 =	sld [smem:$0x3FB7]  }
0x3d: {  	_ =	shalt  }
0x3e: {  	_ =	shalt  }
0x3f: {  	_ =	shalt  }
0x40: {  	_ =	shalt  }
0x41: {  	_ =	shalt  }
0x42: {  	_ =	shalt  }
0x43: {  	_ =	shalt  }
0x44: {  	_ =	shalt  }
0x45: {  	_ =	shalt  }
0x46: {  	_ =	shalt  }
0x47: {  	_ =	shalt  }
0x48: {  	_ =	shalt  }
0x49: {  	_ =	shalt  }
0x4a: {  	_ =	shalt  }
0x4b: {  	_ =	shalt  }
0x4c: {  	_ =	shalt  }
0x4d: {  	_ =	shalt  }
0x4e: {  	_ =	shalt  }
0x4f: {  	_ =	shalt  }
0x50: {  	_ =	shalt  }
0x51: {  	_ =	shalt  }
0x52: {  	_ =	shalt  }
0x53: {  	_ =	shalt  }
0x54: {  	_ =	shalt  }
0x55: {  	_ =	shalt  }
0x56: {  	_ =	shalt  }
0x57: {  	_ =	shalt  }
0x58: {  	_ =	shalt  }
0x59: {  	_ =	shalt  }
0x5a: {  	_ =	shalt  }
0x5b: {  	_ =	shalt  }
0x5c: {  	_ =	shalt  }
0x5d: {  	_ =	shalt  }
0x5e: {  	_ =	shalt  }
0x5f: {  	_ =	shalt  }
0x60: {  	_ =	shalt  }
0x61: {  	_ =	shalt  }
0x62: {  	_ =	shalt  }
0x63: {  	_ =	shalt  }
0x64: {  	_ =	shalt  }
0x65: {  	_ =	shalt  }
0x66: {  	_ =	shalt  }
0x67: {  	_ =	shalt  }
0x68: {  	_ =	shalt  }
0x69: {  	_ =	shalt  }
0x6a: {  	_ =	shalt  }
0x6b: {  	_ =	shalt  }
0x6c: {  	_ =	shalt  }
0x6d: {  	_ =	shalt  }
0x6e: {  	_ =	shalt  }
0x6f: {  	_ =	shalt  }
0x70: {  	_ =	shalt  }
0x71: {  	_ =	shalt  }
0x72: {  	_ =	shalt  }
0x73: {  	_ =	shalt  }
0x74: {  	_ =	shalt  }
0x75: {  	_ =	shalt  }
0x76: {  	_ =	shalt  }
0x77: {  	_ =	shalt  }
0x78: {  	_ =	shalt  }
0x79: {  	_ =	shalt  }
0x7a: {  	_ =	shalt  }
0x7b: {  	_ =	shalt  }
0x7c: {  	_ =	shalt  }
0x7d: {  	_ =	shalt  }
0x7e: {  	_ =	shalt  }
0x7f: {  	_ =	shalt  }
0x80: {  	_ =	shalt  }
0x81: {  	_ =	shalt  }
0x82: {  	_ =	shalt  }
0x83: {  	_ =	shalt  }
0x84: {  	_ =	shalt  }
0x85: {  	_ =	shalt  }
0x86: {  	_ =	shalt  }
0x87: {  	_ =	shalt  }
.Lfunc_end0:
.L_simem_size_0:
called_computation_lowered:
.L_overlay_start_0:
0x88: {  	s2 =	sld [smem:$0x3FD9]  }
0x89: {  	s3 =	sld [smem:$0x3FFE];
	_ =	sdelay $0x1  }
0x8a: {  	s1 =	srdreg.scid  }
0x8b: {  	s0 =	sand.u32 $0x1, s1  }
0x8c: {  	s17 =	sshll.u32 s0, $0xA;
	s2 =	sadd.s32 s3, s2  }
0x8d: {  	s2 =	sadd.s32 s2, s17  }
0x8e: {  	[smem:$0x3FC3] =	sst s2  }
0x8f: {  	_ = 	snop  }
0x90: {  	s2 =	sld [smem:$0x3FC9]  }
0x91: {  	s18 =	sld [smem:$0x3FC8]  }
0x92: {  	s4 =	sld [smem:$0x3FC7]  }
0x93: {  	s5 =	sld [smem:$0x3FD0];
	(tm) =	ssettm $0x1  }
0x94: {  	s6 =	sld [smem:$0x3FFB];
	_ =	sdelay $0x3  }
0x95: {  	_ =	strace s6  }
0x96: {  	s6 =	sld [smem:$0x3FFC];
	_ =	sdelay $0x3  }
0x97: {  	_ =	strace s6  }
0x98: {  	s6 =	sld [smem:$0x3FFD];
	_ =	sdelay $0x3  }
0x99: {  	_ =	strace s6  }
0x9a: {  	_ =	strace $0x8FFFFFFF  }
0x9b: {  	s19 =	sld [smem:$0x3FDB];
	_ =	sdelay $0x1  }
0x9c: {  	s7 =	simm.s32 $_scs_section_size  }
0x9d: {  	s8 =	simm.s32 $_size__tile_overlayer_lowered;
	s9 =	simm.s32 $_tile_overlayer_lowered  }
0x9e: {  	s22 =	simm.s32 $0x1BFF;
	s21 =	sshll.u32 s9, $0x1;
	s6 =	sadd.s32 s7, s19  }
0x9f: {  	s10 =	simm.s32 $0x0;
	s20 =	sshll.u32 s8, $0x1;
	s8 =	sadd.s32 s21, s6  }
0xa0: {  	[timem:s10], [sflag:s22] =	dma.local [hbm:s8], s20  }
0xa1: {  	_ =	swait.ge [sflag:s22], s20  }
0xa2: {  	s7 =	ssub.s32 $0x0, s20;
	[sflag:s22] =	ssyncset.done $0x0  }
0xa3: {  	[sflag:s22] =	ssyncadd.s32 s7;
	_ =	sdelay $0x1  }
0xa4: {  	s23 =	simm.s32 $0x1B8B  }
0xa5: {  	_ =	swait.ge [sflag:s23], $0x1  }
0xa6: {  	[sflag:s23] =	ssyncset.done $0x0  }
0xa7: {  	s25 =	simm.s32 $0x1B8E;
	s24 =	sld [smem:$0x3FFE];
	[sflag:s23] =	ssyncadd.s32 $0xFFFFFFFF  }
0xa8: {  	s26 =	simm.s32 $execute0_lowered;
	[smem:$0x3FD2] =	sst s25  }
0xa9: {  	s8 =	sshll.u32 s26, $0x1;
	_ =	strace $0x80000046;
	[dreg:$0x1] =	wrdreg $0xFFFFFFFF  }
0xaa: {  	s28 =	simm.s32 $_size_execute0_lowered;
	s6 =	sadd.s32 s6, s8;
	[dreg:$0x0] =	wrdreg $0x0  }
0xab: {  	s8 =	sshll.u32 s28, $0x1;
	[dreg:$0x2] =	wrdreg s6  }
0xac: {  	[dreg:$0x3] =	wrdreg s8  }
0xad: {  	[dreg:$0x4] =	wrdreg $0xC0  }
0xae: {  	_ =	task [dreg:s10], $0x5FFFF  }
0xaf: {  	[dreg:$0x1] =	wrdreg $0xFFFFFFFF  }
0xb0: {  	[dreg:$0x0] =	wrdreg $0x60  }
0xb1: {  	[dreg:$0x2] =	wrdreg s2  }
0xb2: {  	[dreg:$0x3] =	wrdreg s18  }
0xb3: {  	[dreg:$0x4] =	wrdreg s4  }
0xb4: {  	[dreg:$0x5] =	wrdreg s24  }
0xb5: {  	[dreg:$0x6] =	wrdreg s5  }
0xb6: {  	[dreg:$0x7] =	wrdreg $0x9  }
0xb7: {  	_ =	task.clear_ibuf [dreg:s10], $0x8FFFF;
	_ =	strace $0x90000046  }
0xb8: {  	s29 =	simm.s32 $0x9;
	_ =	strace $0x80000048  }
0xb9: {  	_ =	swait.ge [sflag:s29], $0x1  }
0xba: {  	[sflag:s29] =	ssyncadd.s32 $0xFFFFFFFF  }
0xbb: {  	_ =	strace $0x90000048  }
0xbc: {  	_ =	sfence  }
0xbd: {  	s30 =	sld [smem:$0x0];
	_ =	sdelay $0x2  }
0xbe: {  	s31 =	sshll.u32 s1, $0xD;
	s1 =	sshrl.u32 s1, $0x2  }
0xbf: {  	s3 =	sand.u32 $0x4000, s31;
	s1 =	sadd.s32 s1, s30  }
0xc0: {  	s0 =	sor.u32 s3, s0;
	s1 =	sshll.u32 s1, $0x11  }
0xc1: {  	s0 =	sor.u32 s1, s0  }
0xc2: {  	s0 =	sadd.s32 $0x8F2B, s0  }
0xc3: {  	[sflag:s0] =	ssyncadd.remote.s32 $0x1  }
0xc4: {  	_ =	sfence.sel $0xFFFF  }
0xc5: {  	[dreg:$0x0] =	wrdreg $0xFFFFFFFF;
	(pc) =	sbr.abs _section_cstart, $3  }
0xc6: {  	[dreg:$0x1] =	wrdreg $0xFFFFFFFF  }
0xc7: {  	_ =	task.clear_ibuf [dreg:s10], $0x2FFFF;
	_ =	strace $0x9FFFFFFF  }
0xc8: {  	(tm) =	ssettm $0x7FFFFFFF  }
0xc9: {  	_ =	shalt  }
tec
execute0_lowered:
.L_overlay_start_1:
0x0: {  	(tag) =	ssettag $0x1  }
0x1: {  	s0 =	rddreg [dreg:$0x0]  }
0x2: {  	s2 =	rddreg [dreg:$0x1]  }
0x3: {  	s8 =	rddreg [dreg:$0x2]  }
0x4: {  	s4 =	rddreg [dreg:$0x3]  }
0x5: {  	s9 =	rddreg [dreg:$0x4];
	s1 =	simm.s32 $0x0;
	v0 =	vimm.s32 $0xFEDCBA98;
	v1 =	vimm.s32 $0x76543210  }
0x6: {  	s5 =	srdreg.scid;
	s7 =	stileid.u32;
	v2 =	vimm.s32 $0xBA98FEDC;
	v3 =	vimm.s32 $0x32107654;
	v4 =	vimm.s32 $0xDCFE98BA;
	s14 =	simm.s32 $0x2  }
0x7: {  	s15 =	simm.s32 $0x80;
	v5 =	vimm.s32 $0x54761032;
	v6 =	vimm.s32 $0xEFCDAB89;
	s23 =	simm.s32 $0x4600;
	s24 =	simm.s32 $0x300  }
0x8: {  	v7 =	vimm.s32 $0x67452301;
	s25 =	simm.s32 $0xC600;
	s26 =	simm.s32 $0x500;
	s28 =	simm.s32 $0x14600  }
0x9: {  	s29 =	simm.s32 $0x180;
	s30 =	simm.s32 $0x6600;
	s31 =	simm.s32 $0x380;
	v0 =	vunpack.c.l.s4.s8 v0;
	v1 =	vunpack.c.l.s4.s8 v1;
	v2 =	vunpack.c.l.s4.s8 v2  }
0xa: {  	s16 =	simm.s32 $0x18600;
	s17 =	simm.s32 $0x0;
	[smem:$0x7FF] =	sst s1;
	v3 =	vunpack.c.l.s4.s8 v3;
	v4 =	vunpack.c.l.s4.s8 v4;
	v5 =	vunpack.c.l.s4.s8 v5  }
0xb: {  	s3 =	sadd.s32 $0xF42A00, s4;
	s5 =	sand.u32 $0x1, s5;
	s7 =	sshll.u32 s7, $0x7;
	v6 =	vunpack.c.l.s4.s8 v6;
	v7 =	vunpack.c.l.s4.s8 v7;
	v0 =	vunpack.c.0.s8.s32 v0  }
0xc: {  	s4 =	sadd.s32 $0x600, s4;
	s6 =	ssub.s32 $0x2, s5;
	s5 =	sshll.u32 s5, $0x6;
	v2 =	vunpack.c.0.s8.s32 v2;
	v3 =	vunpack.c.0.s8.s32 v3;
	v4 =	vunpack.c.0.s8.s32 v4  }
0xd: {  	_ =	strace $0x80000047;
	s10 =	sshrl.u32 s6, $0x1;
	s11 =	sor.u32 s5, s7;
	v5 =	vunpack.c.0.s8.s32 v5;
	v6 =	vunpack.c.0.s8.s32 v6;
	v7 =	vunpack.c.0.s8.s32 v7  }
0xe: {  	v1 =	vunpack.c.0.s8.s32 v1;
	s12 =	ssub.s32 s6, s10;
	s5 =	sadd.s32 s0, s11;
	s6 =	simm.s32 $0x200;
	v2 =	vcombine.low v3, v2  }
0xf: {  	s7 =	sadd.s32 s2, s11;
	s8 =	sadd.s32 s8, s11;
	s9 =	sadd.s32 s9, s11;
	v3 =	vcombine.low v5, v4;
	v4 =	vcombine.low v7, v6;
	v0 =	vand.u32 $0xF, v0  }
0x10: {  	s10 =	simm.s32 $0x400;
	s0 =	simm.s32 $0xE600;
	s2 =	simm.s32 $0x580;
	v0 =	vcombine.low v0, v1  }
0x11: {  	s11 =	simm.s32 $0x16600;
	s13 =	smax.u32 s12, $0x1;
	s12 =	simm.s32 $0x1;
	v1 =	vand.u32 $0xF, v2;
	v2 =	vand.u32 $0xF, v3;
	v3 =	vand.u32 $0xF, v4  }
.LBB2_1:
0x12: {  	[tilespmem:s1], [sflag:$0x2] =	stream.linear.gather [hbm4b:s5+s1], $0x200, $0x38;
	[tilespmem:$0x18800] =	vst v63  }
0x13: {  	_ =	swait.ge [sflag:s14], $0x200  }
0x14: {  	[sflag:s14] =	ssyncset.done $0x0  }
0x15: {  	[sflag:s14] =	ssyncadd.s32 $0xFFFFFE00  }
0x16: {  	[tilespmem:s6], [sflag:$0x2] =	stream.linear.gather [hbm4b:s7+s1], $0x200, $0x38;
	[tilespmem:$0x18800] =	vst v63  }
0x17: {  	_ =	swait.ge [sflag:s14], $0x200  }
0x18: {  	[sflag:s14] =	ssyncset.done $0x0  }
0x19: {  	[sflag:s14] =	ssyncadd.s32 $0xFFFFFE00  }
0x1a: {  	[tilespmem:s10], [sflag:$0x2] =	stream.linear.gather [hbm4b:s8+s1], $0x200, $0x38;
	[tilespmem:$0x18800] =	vst v63  }
0x1b: {  	_ =	swait.ge [sflag:s14], $0x200  }
0x1c: {  	[sflag:s14] =	ssyncset.done $0x0  }
0x1d: {  	s18 =	simm.s32 $0x600;
	[sflag:s14] =	ssyncadd.s32 $0xFFFFFE00  }
0x1e: {  	[tilespmem:s18], [sflag:$0x1] =	stream.indirect.gather [hbm4b:s3+s15], $0x40, s1, s15, $0xb8;
	[tilespmem:$0x18800] =	vst v63  }
0x1f: {  	s19 =	simm.s32 $0x8600  }
0x20: {  	[tilespmem:s19], [sflag:$0x1] =	stream.indirect.gather [hbm4b:s3+s15], $0x40, s6, s15, $0xb8;
	[tilespmem:$0x18800] =	vst v63  }
0x21: {  	s20 =	simm.s32 $0x10600  }
0x22: {  	[tilespmem:s20], [sflag:$0x1] =	stream.indirect.gather [hbm4b:s4+s15], $0x40, s10, s15, $0xb8;
	[tilespmem:$0x18800] =	vst v63  }
0x23: {  	s21 =	simm.s32 $0x2600  }
0x24: {  	[tilespmem:s21], [sflag:$0x1] =	stream.indirect.gather [hbm4b:s3+s15], $0x40, s15, s15, $0xb8;
	[tilespmem:$0x18800] =	vst v63  }
0x25: {  	s22 =	simm.s32 $0x280;
	s19 =	simm.s32 $0xA600  }
0x26: {  	[tilespmem:s19], [sflag:$0x1] =	stream.indirect.gather [hbm4b:s3+s15], $0x40, s22, s15, $0xb8;
	[tilespmem:$0x18800] =	vst v63  }
0x27: {  	s20 =	simm.s32 $0x480;
	s21 =	simm.s32 $0x12600  }
0x28: {  	[tilespmem:s21], [sflag:$0x1] =	stream.indirect.gather [hbm4b:s4+s15], $0x40, s20, s15, $0xb8;
	[tilespmem:$0x18800] =	vst v63  }
0x29: {  	s22 =	simm.s32 $0x100  }
0x2a: {  	[tilespmem:s23], [sflag:$0x1] =	stream.indirect.gather [hbm4b:s3+s15], $0x40, s22, s15, $0xb8;
	[tilespmem:$0x18800] =	vst v63  }
0x2b: {  	_ = 	snop  }
0x2c: {  	[tilespmem:s25], [sflag:$0x1] =	stream.indirect.gather [hbm4b:s3+s15], $0x40, s24, s15, $0xb8;
	[tilespmem:$0x18800] =	vst v63  }
0x2d: {  	_ = 	snop  }
0x2e: {  	[tilespmem:s28], [sflag:$0x1] =	stream.indirect.gather [hbm4b:s4+s15], $0x40, s26, s15, $0xb8;
	[tilespmem:$0x18800] =	vst v63  }
0x2f: {  	_ = 	snop  }
0x30: {  	[tilespmem:s30], [sflag:$0x1] =	stream.indirect.gather [hbm4b:s3+s15], $0x40, s29, s15, $0xb8;
	[tilespmem:$0x18800] =	vst v63  }
0x31: {  	_ = 	snop  }
0x32: {  	[tilespmem:s0], [sflag:$0x1] =	stream.indirect.gather [hbm4b:s3+s15], $0x40, s31, s15, $0xb8;
	[tilespmem:$0x18800] =	vst v63  }
0x33: {  	_ = 	snop  }
0x34: {  	[tilespmem:s11], [sflag:$0x1] =	stream.indirect.gather [hbm4b:s4+s15], $0x40, s2, s15, $0xb8;
	[tilespmem:$0x18800] =	vst v63  }
0x35: {  	_ =	swait.ge [sflag:s12], $0x2000  }
0x36: {  	[sflag:s12] =	ssyncset.done $0x0  }
0x37: {  	[sflag:s12] =	ssyncadd.s32 $0xFFFFE000  }
0x38: {  	_ =	swait.ge [sflag:s12], $0x2000  }
0x39: {  	[sflag:s12] =	ssyncset.done $0x0  }
0x3a: {  	[sflag:s12] =	ssyncadd.s32 $0xFFFFE000  }
0x3b: {  	_ =	swait.ge [sflag:s12], $0x2000  }
0x3c: {  	[sflag:s12] =	ssyncset.done $0x0  }
0x3d: {  	[sflag:s12] =	ssyncadd.s32 $0xFFFFE000  }
0x3e: {  	_ =	swait.ge [sflag:s12], $0x2000  }
0x3f: {  	[sflag:s12] =	ssyncset.done $0x0  }
0x40: {  	[sflag:s12] =	ssyncadd.s32 $0xFFFFE000  }
0x41: {  	_ =	swait.ge [sflag:s12], $0x2000  }
0x42: {  	[sflag:s12] =	ssyncset.done $0x0  }
0x43: {  	[sflag:s12] =	ssyncadd.s32 $0xFFFFE000  }
0x44: {  	_ =	swait.ge [sflag:s12], $0x2000  }
0x45: {  	[sflag:s12] =	ssyncset.done $0x0  }
0x46: {  	[sflag:s12] =	ssyncadd.s32 $0xFFFFE000  }
0x47: {  	_ =	swait.ge [sflag:s12], $0x2000  }
0x48: {  	[sflag:s12] =	ssyncset.done $0x0  }
0x49: {  	[sflag:s12] =	ssyncadd.s32 $0xFFFFE000  }
0x4a: {  	_ =	swait.ge [sflag:s12], $0x2000  }
0x4b: {  	[sflag:s12] =	ssyncset.done $0x0  }
0x4c: {  	[sflag:s12] =	ssyncadd.s32 $0xFFFFE000  }
0x4d: {  	_ =	swait.ge [sflag:s12], $0x2000  }
0x4e: {  	[sflag:s12] =	ssyncset.done $0x0  }
0x4f: {  	[sflag:s12] =	ssyncadd.s32 $0xFFFFE000  }
0x50: {  	_ =	swait.ge [sflag:s12], $0x2000  }
0x51: {  	[sflag:s12] =	ssyncset.done $0x0  }
0x52: {  	[sflag:s12] =	ssyncadd.s32 $0xFFFFE000  }
0x53: {  	_ =	swait.ge [sflag:s12], $0x2000  }
0x54: {  	[sflag:s12] =	ssyncset.done $0x0  }
0x55: {  	[sflag:s12] =	ssyncadd.s32 $0xFFFFE000  }
0x56: {  	_ =	swait.ge [sflag:s12], $0x2000  }
0x57: {  	s18 =	simm.s32 $0x8680;
	s19 =	simm.s32 $0x10680;
	[sflag:s12] =	ssyncset.done $0x0  }
0x58: {  	s20 =	simm.s32 $0x680;
	s21 =	simm.s32 $0x0;
	[sflag:s12] =	ssyncadd.s32 $0xFFFFE000  }
.LBB2_2:
0x59: {  	v4 =	vld [tilespmem:s20+$0xFFFFFF80]  }
0x5a: {  	v5 =	vld [tilespmem:s20+$0xFFFFFF90]  }
0x5b: {  	v6 =	vld [tilespmem:s18+$0xFFFFFF80]  }
0x5c: {  	v7 =	vld [tilespmem:s18+$0xFFFFFF90]  }
0x5d: {  	v8 =	vld [tilespmem:s20+$0xFFFFFFA0]  }
0x5e: {  	v9 =	vld [tilespmem:s18+$0xFFFFFFA0]  }
0x5f: {  	v10 =	vld [tilespmem:s20+$0xFFFFFFB0]  }
0x60: {  	v11 =	vld [tilespmem:s18+$0xFFFFFFB0];
	v12 =	vmul.f32 v4, v4;
	v13 =	vmul.f32 v5, v5  }
0x61: {  	v14 =	vmul.f32 v6, v6;
	v15 =	vmul.f32 v7, v7  }
0x62: {  	v39 =	vmul.f32 v8, v8;
	v12 =	vadd.f32 v13, v12  }
0x63: {  	v40 =	vmul.f32 v9, v9;
	v14 =	vadd.f32 v15, v14  }
0x64: {  	v41 =	vmul.f32 v10, v10;
	v12 =	vadd.f32 v39, v12  }
0x65: {  	v42 =	vmul.f32 v11, v11;
	v14 =	vadd.f32 v40, v14  }
0x66: {  	v12 =	vadd.f32 v41, v12  }
0x67: {  	v43 =	vadd.f32 v42, v14  }
0x68: {  	v44 =	vperm.xlane v12, v0  }
0x69: {  	v15 =	vperm.xlane v43, v0  }
0x6a: {  	v12 =	vadd.f32 v44, v12  }
0x6b: {  	v13 =	vadd.f32 v15, v43  }
0x6c: {  	v14 =	vperm.xlane v12, v1  }
0x6d: {  	v15 =	vperm.xlane v13, v1  }
0x6e: {  	v12 =	vadd.f32 v14, v12  }
0x6f: {  	v13 =	vadd.f32 v15, v13  }
0x70: {  	v14 =	vperm.xlane v12, v2  }
0x71: {  	v15 =	vperm.xlane v13, v2  }
0x72: {  	v12 =	vadd.f32 v14, v12  }
0x73: {  	v13 =	vadd.f32 v15, v13  }
0x74: {  	v14 =	vperm.xlane v12, v3  }
0x75: {  	v15 =	vperm.xlane v13, v3  }
0x76: {  	v12 =	vadd.f32 v14, v12  }
0x77: {  	v13 =	vadd.f32 v15, v13  }
0x78: {  	v12 =	vmax.f32 v12, $1.000000020e-24  }
0x79: {  	v13 =	vmax.f32 v13, $1.000000020e-24;
	v45 =	vshra.s32 v12, $0x1  }
0x7a: {  	v12 =	vmul.f32 $5.000000000e-01, v12;
	v46 =	vshra.s32 v13, $0x1;
	v13 =	vmul.f32 $5.000000000e-01, v13  }
0x7b: {  	v14 =	vsub.s32 $0x5F3759DF, v45;
	v15 =	vsub.s32 $0x5F3759DF, v46  }
0x7c: {  	v16 =	vmul.f32 v14, v12;
	v17 =	vmul.f32 v15, v13;
	_ =	sdelay $0x1  }
0x7d: {  	v16 =	vmul.f32 v14, v16;
	v17 =	vmul.f32 v15, v17;
	_ =	sdelay $0x1  }
0x7e: {  	v16 =	vsub.f32 $1.500000000e+00, v16;
	v17 =	vsub.f32 $1.500000000e+00, v17;
	_ =	sdelay $0x1  }
0x7f: {  	v14 =	vmul.f32 v14, v16;
	v15 =	vmul.f32 v15, v17;
	_ =	sdelay $0x1  }
0x80: {  	v12 =	vmul.f32 v14, v12;
	v13 =	vmul.f32 v15, v13;
	_ =	sdelay $0x1  }
0x81: {  	v12 =	vmul.f32 v12, v14;
	v13 =	vmul.f32 v13, v15;
	_ =	sdelay $0x1  }
0x82: {  	v12 =	vsub.f32 $1.500000000e+00, v12;
	v13 =	vsub.f32 $1.500000000e+00, v13;
	_ =	sdelay $0x1  }
0x83: {  	v12 =	vmul.f32 v12, v14;
	v13 =	vmul.f32 v13, v15  }
0x84: {  	v47 =	vld [tilespmem:s19+$0xFFFFFF80]  }
0x85: {  	v48 =	vld [tilespmem:s19+$0xFFFFFF90];
	v6 =	vmul.f32 v13, v6;
	v4 =	vmul.f32 v12, v4  }
0x86: {  	v7 =	vmul.f32 v13, v7;
	v5 =	vmul.f32 v12, v5  }
0x87: {  	v49 =	vld [tilespmem:s19+$0xFFFFFFA0];
	v50 =	vmul.f32 v13, v9;
	v51 =	vmul.f32 v12, v8  }
0x88: {  	v4 =	vsub.f32 v6, v4;
	v5 =	vsub.f32 v7, v5  }
0x89: {  	v52 =	vld [tilespmem:s19+$0xFFFFFFB0];
	v53 =	vmul.f32 v13, v11;
	v54 =	vmul.f32 v12, v10;
	v6 =	vsub.f32 v50, v51  }
0x8a: {  	v4 =	vsub.f32 v4, v47;
	v5 =	vsub.f32 v5, v48  }
0x8b: {  	v7 =	vsub.f32 v53, v54  }
0x8c: {  	v6 =	vsub.f32 v6, v49;
	v4 =	vmul.f32 v4, v4;
	v5 =	vmul.f32 v5, v5;
	_ =	sdelay $0x1  }
0x8d: {  	v55 =	vsub.f32 v7, v52;
	v4 =	vadd.f32 v5, v4;
	v5 =	vmul.f32 v6, v6;
	_ =	sdelay $0x1  }
0x8e: {  	v4 =	vadd.f32 v4, v5;
	v5 =	vmul.f32 v55, v55;
	_ =	sdelay $0x1  }
0x8f: {  	v4 =	vadd.f32 v4, v5;
	_ =	sdelay $0x1  }
0x90: {  	v5 =	vperm.xlane v4, v0;
	_ =	sdelay $0x1  }
0x91: {  	v4 =	vadd.f32 v4, v5;
	_ =	sdelay $0x1  }
0x92: {  	v5 =	vperm.xlane v4, v1;
	_ =	sdelay $0x1  }
0x93: {  	v4 =	vadd.f32 v4, v5;
	_ =	sdelay $0x1  }
0x94: {  	v5 =	vperm.xlane v4, v2;
	_ =	sdelay $0x1  }
0x95: {  	v4 =	vadd.f32 v4, v5;
	_ =	sdelay $0x1  }
0x96: {  	v5 =	vperm.xlane v4, v3;
	_ =	sdelay $0x1  }
0x97: {  	v4 =	vadd.f32 v4, v5;
	_ =	sdelay $0x1  }
0x98: {  	v5 =	vmax.f32 v4, $1.000000000e-30  }
0x99: {  	v56 =	vshra.s32 v5, $0x1;
	v5 =	vmul.f32 $5.000000000e-01, v5  }
0x9a: {  	v6 =	vsub.s32 $0x5F3759DF, v56  }
0x9b: {  	v57 =	vmul.f32 v6, v5;
	_ =	sdelay $0x1  }
0x9c: {  	v7 =	vmul.f32 v6, v57;
	_ =	sdelay $0x1  }
0x9d: {  	v7 =	vsub.f32 $1.500000000e+00, v7;
	_ =	sdelay $0x1  }
0x9e: {  	v6 =	vmul.f32 v6, v7;
	_ =	sdelay $0x1  }
0x9f: {  	v5 =	vmul.f32 v6, v5;
	_ =	sdelay $0x1  }
0xa0: {  	v58 =	vmov s21;
	v5 =	vmul.f32 v5, v6  }
0xa1: {  	v7 =	vand.u32 $0xFFFFFFFC, v58  }
0xa2: {  	v7 =	vbroadcast v7, $0x0;
	v5 =	vsub.f32 $1.500000000e+00, v5;
	_ =	sdelay $0x1  }
0xa3: {  	v5 =	vmul.f32 v5, v6;
	_ =	sdelay $0x1  }
0xa4: {  	v4 =	vmul.f32 v5, v4;
	_ =	sdelay $0x1  }
0xa5: {  	[tilespmem:v7+s16+$0x0] =	vst.idx.msk $0x1, v4  }
0xa6: {  	v4 =	vld [tilespmem:s20+$0xFFFFFFC0]  }
0xa7: {  	v5 =	vld [tilespmem:s20+$0xFFFFFFD0]  }
0xa8: {  	v59 =	vld [tilespmem:s18+$0xFFFFFFC0]  }
0xa9: {  	v7 =	vld [tilespmem:s18+$0xFFFFFFD0]  }
0xaa: {  	v60 =	vld [tilespmem:s20+$0xFFFFFFE0]  }
0xab: {  	v61 =	vld [tilespmem:s18+$0xFFFFFFE0]  }
0xac: {  	v62 =	vld [tilespmem:s20+$0xFFFFFFF0]  }
0xad: {  	v63 =	vld [tilespmem:s18+$0xFFFFFFF0];
	v20 =	vmul.f32 v4, v4;
	v21 =	vmul.f32 v5, v5  }
0xae: {  	v22 =	vmul.f32 v59, v59;
	v23 =	vmul.f32 v7, v7  }
0xaf: {  	v24 =	vmul.f32 v60, v60;
	v12 =	vadd.f32 v21, v20  }
0xb0: {  	v25 =	vmul.f32 v61, v61;
	v14 =	vadd.f32 v23, v22  }
0xb1: {  	v26 =	vmul.f32 v62, v62;
	v12 =	vadd.f32 v24, v12  }
0xb2: {  	v27 =	vmul.f32 v63, v63;
	v14 =	vadd.f32 v25, v14  }
0xb3: {  	v12 =	vadd.f32 v26, v12  }
0xb4: {  	v28 =	vadd.f32 v27, v14  }
0xb5: {  	v29 =	vperm.xlane v12, v0  }
0xb6: {  	v15 =	vperm.xlane v28, v0  }
0xb7: {  	v12 =	vadd.f32 v29, v12  }
0xb8: {  	v13 =	vadd.f32 v15, v28  }
0xb9: {  	v14 =	vperm.xlane v12, v1  }
0xba: {  	v15 =	vperm.xlane v13, v1  }
0xbb: {  	v12 =	vadd.f32 v14, v12  }
0xbc: {  	v13 =	vadd.f32 v15, v13  }
0xbd: {  	v14 =	vperm.xlane v12, v2  }
0xbe: {  	v15 =	vperm.xlane v13, v2  }
0xbf: {  	v12 =	vadd.f32 v14, v12  }
0xc0: {  	v13 =	vadd.f32 v15, v13  }
0xc1: {  	v14 =	vperm.xlane v12, v3  }
0xc2: {  	v15 =	vperm.xlane v13, v3  }
0xc3: {  	v12 =	vadd.f32 v14, v12  }
0xc4: {  	v13 =	vadd.f32 v15, v13  }
0xc5: {  	v12 =	vmax.f32 v12, $1.000000020e-24  }
0xc6: {  	v13 =	vmax.f32 v13, $1.000000020e-24;
	v30 =	vshra.s32 v12, $0x1  }
0xc7: {  	v12 =	vmul.f32 $5.000000000e-01, v12;
	v31 =	vshra.s32 v13, $0x1;
	v13 =	vmul.f32 $5.000000000e-01, v13  }
0xc8: {  	v14 =	vsub.s32 $0x5F3759DF, v30;
	v15 =	vsub.s32 $0x5F3759DF, v31  }
0xc9: {  	v32 =	vmul.f32 v14, v12;
	v33 =	vmul.f32 v15, v13;
	_ =	sdelay $0x1  }
0xca: {  	v16 =	vmul.f32 v14, v32;
	v17 =	vmul.f32 v15, v33;
	_ =	sdelay $0x1  }
0xcb: {  	v16 =	vsub.f32 $1.500000000e+00, v16;
	v17 =	vsub.f32 $1.500000000e+00, v17;
	_ =	sdelay $0x1  }
0xcc: {  	v14 =	vmul.f32 v14, v16;
	v15 =	vmul.f32 v15, v17;
	_ =	sdelay $0x1  }
0xcd: {  	v12 =	vmul.f32 v14, v12;
	v13 =	vmul.f32 v15, v13;
	_ =	sdelay $0x1  }
0xce: {  	v12 =	vmul.f32 v12, v14;
	v13 =	vmul.f32 v13, v15;
	_ =	sdelay $0x1  }
0xcf: {  	v12 =	vsub.f32 $1.500000000e+00, v12;
	v13 =	vsub.f32 $1.500000000e+00, v13;
	_ =	sdelay $0x1  }
0xd0: {  	v12 =	vmul.f32 v12, v14;
	v13 =	vmul.f32 v13, v15  }
0xd1: {  	v34 =	vld [tilespmem:s19+$0xFFFFFFC0]  }
0xd2: {  	v35 =	vld [tilespmem:s19+$0xFFFFFFD0];
	v6 =	vmul.f32 v13, v59;
	v4 =	vmul.f32 v12, v4  }
0xd3: {  	v7 =	vmul.f32 v13, v7;
	v5 =	vmul.f32 v12, v5  }
0xd4: {  	v36 =	vld [tilespmem:s19+$0xFFFFFFE0];
	v37 =	vmul.f32 v13, v61;
	v38 =	vmul.f32 v12, v60  }
0xd5: {  	v4 =	vsub.f32 v6, v4;
	v5 =	vsub.f32 v7, v5  }
0xd6: {  	v39 =	vld [tilespmem:s19+$0xFFFFFFF0];
	v40 =	vmul.f32 v13, v63;
	v41 =	vmul.f32 v12, v62;
	v6 =	vsub.f32 v37, v38  }
0xd7: {  	v4 =	vsub.f32 v4, v34;
	v5 =	vsub.f32 v5, v35  }
0xd8: {  	v7 =	vsub.f32 v40, v41  }
0xd9: {  	v6 =	vsub.f32 v6, v36;
	v4 =	vmul.f32 v4, v4;
	v5 =	vmul.f32 v5, v5;
	_ =	sdelay $0x1  }
0xda: {  	v42 =	vsub.f32 v7, v39;
	v4 =	vadd.f32 v5, v4;
	v5 =	vmul.f32 v6, v6;
	_ =	sdelay $0x1  }
0xdb: {  	v4 =	vadd.f32 v4, v5;
	v5 =	vmul.f32 v42, v42;
	_ =	sdelay $0x1  }
0xdc: {  	v4 =	vadd.f32 v4, v5;
	_ =	sdelay $0x1  }
0xdd: {  	v5 =	vperm.xlane v4, v0;
	_ =	sdelay $0x1  }
0xde: {  	v4 =	vadd.f32 v4, v5;
	_ =	sdelay $0x1  }
0xdf: {  	v5 =	vperm.xlane v4, v1;
	_ =	sdelay $0x1  }
0xe0: {  	v4 =	vadd.f32 v4, v5;
	_ =	sdelay $0x1  }
0xe1: {  	v5 =	vperm.xlane v4, v2;
	_ =	sdelay $0x1  }
0xe2: {  	v4 =	vadd.f32 v4, v5;
	_ =	sdelay $0x1  }
0xe3: {  	v5 =	vperm.xlane v4, v3;
	_ =	sdelay $0x1  }
0xe4: {  	v4 =	vadd.f32 v4, v5;
	_ =	sdelay $0x1  }
0xe5: {  	v5 =	vmax.f32 v4, $1.000000000e-30  }
0xe6: {  	v43 =	vshra.s32 v5, $0x1;
	v5 =	vmul.f32 $5.000000000e-01, v5  }
0xe7: {  	v6 =	vsub.s32 $0x5F3759DF, v43  }
0xe8: {  	v44 =	vmul.f32 v6, v5;
	_ =	sdelay $0x1  }
0xe9: {  	v7 =	vmul.f32 v6, v44;
	_ =	sdelay $0x1  }
0xea: {  	v7 =	vsub.f32 $1.500000000e+00, v7;
	_ =	sdelay $0x1  }
0xeb: {  	v6 =	vmul.f32 v6, v7;
	_ =	sdelay $0x1  }
0xec: {  	v5 =	vmul.f32 v6, v5  }
0xed: {  	s22 =	sadd.s32 $0x1, s21  }
0xee: {  	v45 =	vmov s22;
	v5 =	vmul.f32 v5, v6  }
0xef: {  	v7 =	vand.u32 $0xFFFFFFFD, v45  }
0xf0: {  	v7 =	vbroadcast v7, $0x0;
	v5 =	vsub.f32 $1.500000000e+00, v5;
	_ =	sdelay $0x1  }
0xf1: {  	v5 =	vmul.f32 v5, v6;
	_ =	sdelay $0x1  }
0xf2: {  	v4 =	vmul.f32 v5, v4;
	_ =	sdelay $0x1  }
0xf3: {  	[tilespmem:v7+s16+$0x0] =	vst.idx.msk $0x1, v4  }
0xf4: {  	v4 =	vld [tilespmem:s20+$0x0]  }
0xf5: {  	v5 =	vld [tilespmem:s20+$0x10]  }
0xf6: {  	v46 =	vld [tilespmem:s18+$0x0]  }
0xf7: {  	v7 =	vld [tilespmem:s18+$0x10]  }
0xf8: {  	v47 =	vld [tilespmem:s20+$0x20]  }
0xf9: {  	v48 =	vld [tilespmem:s18+$0x20]  }
0xfa: {  	v49 =	vld [tilespmem:s20+$0x30]  }
0xfb: {  	v50 =	vld [tilespmem:s18+$0x30];
	v51 =	vmul.f32 v4, v4;
	v52 =	vmul.f32 v5, v5  }
0xfc: {  	v53 =	vmul.f32 v46, v46;
	v54 =	vmul.f32 v7, v7  }
0xfd: {  	v55 =	vmul.f32 v47, v47;
	v12 =	vadd.f32 v52, v51  }
0xfe: {  	v56 =	vmul.f32 v48, v48;
	v14 =	vadd.f32 v54, v53  }
0xff: {  	v57 =	vmul.f32 v49, v49;
	v12 =	vadd.f32 v55, v12  }
0x100: {  	v58 =	vmul.f32 v50, v50;
	v14 =	vadd.f32 v56, v14  }
0x101: {  	v12 =	vadd.f32 v57, v12  }
0x102: {  	v59 =	vadd.f32 v58, v14  }
0x103: {  	v60 =	vperm.xlane v12, v0  }
0x104: {  	v15 =	vperm.xlane v59, v0  }
0x105: {  	v12 =	vadd.f32 v60, v12  }
0x106: {  	v13 =	vadd.f32 v15, v59  }
0x107: {  	v14 =	vperm.xlane v12, v1  }
0x108: {  	v15 =	vperm.xlane v13, v1  }
0x109: {  	v12 =	vadd.f32 v14, v12  }
0x10a: {  	v13 =	vadd.f32 v15, v13  }
0x10b: {  	v14 =	vperm.xlane v12, v2  }
0x10c: {  	v15 =	vperm.xlane v13, v2  }
0x10d: {  	v12 =	vadd.f32 v14, v12  }
0x10e: {  	v13 =	vadd.f32 v15, v13  }
0x10f: {  	v14 =	vperm.xlane v12, v3  }
0x110: {  	v15 =	vperm.xlane v13, v3  }
0x111: {  	v12 =	vadd.f32 v14, v12  }
0x112: {  	v13 =	vadd.f32 v15, v13  }
0x113: {  	v12 =	vmax.f32 v12, $1.000000020e-24  }
0x114: {  	v13 =	vmax.f32 v13, $1.000000020e-24;
	v61 =	vshra.s32 v12, $0x1  }
0x115: {  	v12 =	vmul.f32 $5.000000000e-01, v12;
	v62 =	vshra.s32 v13, $0x1;
	v13 =	vmul.f32 $5.000000000e-01, v13  }
0x116: {  	v14 =	vsub.s32 $0x5F3759DF, v61;
	v15 =	vsub.s32 $0x5F3759DF, v62  }
0x117: {  	v63 =	vmul.f32 v14, v12;
	v20 =	vmul.f32 v15, v13;
	_ =	sdelay $0x1  }
0x118: {  	v16 =	vmul.f32 v14, v63;
	v17 =	vmul.f32 v15, v20;
	_ =	sdelay $0x1  }
0x119: {  	v16 =	vsub.f32 $1.500000000e+00, v16;
	v17 =	vsub.f32 $1.500000000e+00, v17;
	_ =	sdelay $0x1  }
0x11a: {  	v14 =	vmul.f32 v14, v16;
	v15 =	vmul.f32 v15, v17;
	_ =	sdelay $0x1  }
0x11b: {  	v12 =	vmul.f32 v14, v12;
	v13 =	vmul.f32 v15, v13;
	_ =	sdelay $0x1  }
0x11c: {  	v12 =	vmul.f32 v12, v14;
	v13 =	vmul.f32 v13, v15;
	_ =	sdelay $0x1  }
0x11d: {  	v12 =	vsub.f32 $1.500000000e+00, v12;
	v13 =	vsub.f32 $1.500000000e+00, v13;
	_ =	sdelay $0x1  }
0x11e: {  	v12 =	vmul.f32 v12, v14;
	v13 =	vmul.f32 v13, v15  }
0x11f: {  	v21 =	vld [tilespmem:s19+$0x0]  }
0x120: {  	v22 =	vld [tilespmem:s19+$0x10];
	v6 =	vmul.f32 v13, v46;
	v4 =	vmul.f32 v12, v4  }
0x121: {  	v7 =	vmul.f32 v13, v7;
	v5 =	vmul.f32 v12, v5  }
0x122: {  	v23 =	vld [tilespmem:s19+$0x20];
	v24 =	vmul.f32 v13, v48;
	v25 =	vmul.f32 v12, v47  }
0x123: {  	v4 =	vsub.f32 v6, v4;
	v5 =	vsub.f32 v7, v5  }
0x124: {  	v26 =	vld [tilespmem:s19+$0x30];
	v27 =	vmul.f32 v13, v50;
	v28 =	vmul.f32 v12, v49;
	v6 =	vsub.f32 v24, v25  }
0x125: {  	v4 =	vsub.f32 v4, v21;
	v5 =	vsub.f32 v5, v22  }
0x126: {  	v7 =	vsub.f32 v27, v28  }
0x127: {  	v6 =	vsub.f32 v6, v23;
	v4 =	vmul.f32 v4, v4;
	v5 =	vmul.f32 v5, v5;
	_ =	sdelay $0x1  }
0x128: {  	v29 =	vsub.f32 v7, v26;
	v4 =	vadd.f32 v5, v4;
	v5 =	vmul.f32 v6, v6;
	_ =	sdelay $0x1  }
0x129: {  	v4 =	vadd.f32 v4, v5;
	v5 =	vmul.f32 v29, v29;
	_ =	sdelay $0x1  }
0x12a: {  	v4 =	vadd.f32 v4, v5;
	_ =	sdelay $0x1  }
0x12b: {  	v5 =	vperm.xlane v4, v0;
	_ =	sdelay $0x1  }
0x12c: {  	v4 =	vadd.f32 v4, v5;
	_ =	sdelay $0x1  }
0x12d: {  	v5 =	vperm.xlane v4, v1;
	_ =	sdelay $0x1  }
0x12e: {  	v4 =	vadd.f32 v4, v5;
	_ =	sdelay $0x1  }
0x12f: {  	v5 =	vperm.xlane v4, v2;
	_ =	sdelay $0x1  }
0x130: {  	v4 =	vadd.f32 v4, v5;
	_ =	sdelay $0x1  }
0x131: {  	v5 =	vperm.xlane v4, v3;
	_ =	sdelay $0x1  }
0x132: {  	v4 =	vadd.f32 v4, v5;
	_ =	sdelay $0x1  }
0x133: {  	v5 =	vmax.f32 v4, $1.000000000e-30  }
0x134: {  	v30 =	vshra.s32 v5, $0x1;
	v5 =	vmul.f32 $5.000000000e-01, v5  }
0x135: {  	v6 =	vsub.s32 $0x5F3759DF, v30  }
0x136: {  	v31 =	vmul.f32 v6, v5;
	_ =	sdelay $0x1  }
0x137: {  	v7 =	vmul.f32 v6, v31;
	_ =	sdelay $0x1  }
0x138: {  	v7 =	vsub.f32 $1.500000000e+00, v7;
	_ =	sdelay $0x1  }
0x139: {  	v6 =	vmul.f32 v6, v7;
	_ =	sdelay $0x1  }
0x13a: {  	v5 =	vmul.f32 v6, v5  }
0x13b: {  	s22 =	sadd.s32 $0x2, s21  }
0x13c: {  	v32 =	vmov s22;
	v5 =	vmul.f32 v5, v6  }
0x13d: {  	v7 =	vand.u32 $0xFFFFFFFE, v32  }
0x13e: {  	v7 =	vbroadcast v7, $0x0;
	v5 =	vsub.f32 $1.500000000e+00, v5;
	_ =	sdelay $0x1  }
0x13f: {  	v5 =	vmul.f32 v5, v6;
	_ =	sdelay $0x1  }
0x140: {  	v4 =	vmul.f32 v5, v4;
	_ =	sdelay $0x1  }
0x141: {  	[tilespmem:v7+s16+$0x0] =	vst.idx.msk $0x1, v4  }
0x142: {  	v4 =	vld [tilespmem:s20+$0x40]  }
0x143: {  	v5 =	vld [tilespmem:s20+$0x50]  }
0x144: {  	v33 =	vld [tilespmem:s18+$0x40]  }
0x145: {  	v7 =	vld [tilespmem:s18+$0x50]  }
0x146: {  	v34 =	vld [tilespmem:s20+$0x60]  }
0x147: {  	v35 =	vld [tilespmem:s18+$0x60]  }
0x148: {  	v36 =	vld [tilespmem:s20+$0x70]  }
0x149: {  	v37 =	vld [tilespmem:s18+$0x70];
	v38 =	vmul.f32 v4, v4;
	v39 =	vmul.f32 v5, v5  }
0x14a: {  	v40 =	vmul.f32 v33, v33;
	v41 =	vmul.f32 v7, v7  }
0x14b: {  	v42 =	vmul.f32 v34, v34;
	v12 =	vadd.f32 v39, v38  }
0x14c: {  	v43 =	vmul.f32 v35, v35;
	v14 =	vadd.f32 v41, v40  }
0x14d: {  	v44 =	vmul.f32 v36, v36;
	v12 =	vadd.f32 v42, v12  }
0x14e: {  	v45 =	vmul.f32 v37, v37;
	v14 =	vadd.f32 v43, v14  }
0x14f: {  	v12 =	vadd.f32 v44, v12  }
0x150: {  	v46 =	vadd.f32 v45, v14  }
0x151: {  	v47 =	vperm.xlane v12, v0  }
0x152: {  	v15 =	vperm.xlane v46, v0  }
0x153: {  	v12 =	vadd.f32 v47, v12  }
0x154: {  	v13 =	vadd.f32 v15, v46  }
0x155: {  	v14 =	vperm.xlane v12, v1  }
0x156: {  	v15 =	vperm.xlane v13, v1  }
0x157: {  	v12 =	vadd.f32 v14, v12  }
0x158: {  	v13 =	vadd.f32 v15, v13  }
0x159: {  	v14 =	vperm.xlane v12, v2  }
0x15a: {  	v15 =	vperm.xlane v13, v2  }
0x15b: {  	v12 =	vadd.f32 v14, v12  }
0x15c: {  	v13 =	vadd.f32 v15, v13  }
0x15d: {  	v14 =	vperm.xlane v12, v3  }
0x15e: {  	v15 =	vperm.xlane v13, v3  }
0x15f: {  	v12 =	vadd.f32 v14, v12  }
0x160: {  	v13 =	vadd.f32 v15, v13  }
0x161: {  	v12 =	vmax.f32 v12, $1.000000020e-24  }
0x162: {  	v13 =	vmax.f32 v13, $1.000000020e-24;
	v48 =	vshra.s32 v12, $0x1  }
0x163: {  	v12 =	vmul.f32 $5.000000000e-01, v12;
	v49 =	vshra.s32 v13, $0x1;
	v13 =	vmul.f32 $5.000000000e-01, v13  }
0x164: {  	v14 =	vsub.s32 $0x5F3759DF, v48;
	v15 =	vsub.s32 $0x5F3759DF, v49  }
0x165: {  	v50 =	vmul.f32 v14, v12;
	v51 =	vmul.f32 v15, v13;
	_ =	sdelay $0x1  }
0x166: {  	v16 =	vmul.f32 v14, v50;
	v17 =	vmul.f32 v15, v51;
	_ =	sdelay $0x1  }
0x167: {  	v16 =	vsub.f32 $1.500000000e+00, v16;
	v17 =	vsub.f32 $1.500000000e+00, v17;
	_ =	sdelay $0x1  }
0x168: {  	v14 =	vmul.f32 v14, v16;
	v15 =	vmul.f32 v15, v17;
	_ =	sdelay $0x1  }
0x169: {  	v12 =	vmul.f32 v14, v12;
	v13 =	vmul.f32 v15, v13;
	_ =	sdelay $0x1  }
0x16a: {  	v12 =	vmul.f32 v12, v14;
	v13 =	vmul.f32 v13, v15;
	_ =	sdelay $0x1  }
0x16b: {  	v12 =	vsub.f32 $1.500000000e+00, v12;
	v13 =	vsub.f32 $1.500000000e+00, v13;
	_ =	sdelay $0x1  }
0x16c: {  	v12 =	vmul.f32 v12, v14;
	v13 =	vmul.f32 v13, v15  }
0x16d: {  	v52 =	vld [tilespmem:s19+$0x40]  }
0x16e: {  	v53 =	vld [tilespmem:s19+$0x50];
	v6 =	vmul.f32 v13, v33;
	v4 =	vmul.f32 v12, v4  }
0x16f: {  	v7 =	vmul.f32 v13, v7;
	v5 =	vmul.f32 v12, v5  }
0x170: {  	v54 =	vld [tilespmem:s19+$0x60];
	v55 =	vmul.f32 v13, v35;
	v56 =	vmul.f32 v12, v34  }
0x171: {  	v4 =	vsub.f32 v6, v4;
	v5 =	vsub.f32 v7, v5  }
0x172: {  	v57 =	vld [tilespmem:s19+$0x70];
	v58 =	vmul.f32 v13, v37;
	v59 =	vmul.f32 v12, v36;
	v6 =	vsub.f32 v55, v56  }
0x173: {  	v4 =	vsub.f32 v4, v52;
	v5 =	vsub.f32 v5, v53  }
0x174: {  	v7 =	vsub.f32 v58, v59  }
0x175: {  	v6 =	vsub.f32 v6, v54;
	v4 =	vmul.f32 v4, v4;
	v5 =	vmul.f32 v5, v5;
	_ =	sdelay $0x1  }
0x176: {  	v60 =	vsub.f32 v7, v57;
	v4 =	vadd.f32 v5, v4;
	v5 =	vmul.f32 v6, v6;
	_ =	sdelay $0x1  }
0x177: {  	v4 =	vadd.f32 v4, v5;
	v5 =	vmul.f32 v60, v60;
	_ =	sdelay $0x1  }
0x178: {  	v4 =	vadd.f32 v4, v5;
	_ =	sdelay $0x1  }
0x179: {  	v5 =	vperm.xlane v4, v0;
	_ =	sdelay $0x1  }
0x17a: {  	v4 =	vadd.f32 v4, v5;
	_ =	sdelay $0x1  }
0x17b: {  	v5 =	vperm.xlane v4, v1;
	_ =	sdelay $0x1  }
0x17c: {  	v4 =	vadd.f32 v4, v5;
	_ =	sdelay $0x1  }
0x17d: {  	v5 =	vperm.xlane v4, v2;
	_ =	sdelay $0x1  }
0x17e: {  	v4 =	vadd.f32 v4, v5;
	_ =	sdelay $0x1  }
0x17f: {  	v5 =	vperm.xlane v4, v3;
	_ =	sdelay $0x1  }
0x180: {  	v4 =	vadd.f32 v4, v5;
	_ =	sdelay $0x1  }
0x181: {  	v5 =	vmax.f32 v4, $1.000000000e-30  }
0x182: {  	v61 =	vshra.s32 v5, $0x1;
	v5 =	vmul.f32 $5.000000000e-01, v5  }
0x183: {  	v6 =	vsub.s32 $0x5F3759DF, v61  }
0x184: {  	v62 =	vmul.f32 v6, v5;
	_ =	sdelay $0x1  }
0x185: {  	v7 =	vmul.f32 v6, v62;
	_ =	sdelay $0x1  }
0x186: {  	v7 =	vsub.f32 $1.500000000e+00, v7;
	_ =	sdelay $0x1  }
0x187: {  	v6 =	vmul.f32 v6, v7;
	_ =	sdelay $0x1  }
0x188: {  	v5 =	vmul.f32 v6, v5;
	_ =	sdelay $0x1  }
0x189: {  	v5 =	vmul.f32 v5, v6;
	_ =	sdelay $0x1  }
0x18a: {  	s22 =	sadd.s32 $0x3, s21;
	v5 =	vsub.f32 $1.500000000e+00, v5  }
0x18b: {  	p0 =	slt.u32 s21, $0x1FC;
	v63 =	vmov s22  }
.Ltmp0:
0x18c: {  	v5 =	vmul.f32 v5, v6;
	(pc) =	sbr.rel @p0 .LBB2_2-.Ltmp0, $4  }
0x18d: {  	_ = 	snop  }
0x18e: {  	v4 =	vmul.f32 v5, v4  }
0x18f: {  	s21 =	sadd.s32 $0x4, s21  }
0x190: {  	s18 =	sadd.s32 $0x100, s18;
	s19 =	sadd.s32 $0x100, s19;
	s20 =	sadd.s32 $0x100, s20;
	[tilespmem:v63+s16+$0x0] =	vst.idx.msk $0x1, v4  }
0x191: {  	s17 =	sadd.s32 $0x1, s17  }
0x192: {  	p0 =	sne.s32 s17, s13  }
.Ltmp1:
0x193: {  	_ = 	snop;
	(pc) =	sbr.rel @p0 .LBB2_1-.Ltmp1, $4  }
0x194: {  	[hbm4b:s9+s1] =	stream.linear.scatter [tilespmem:s16], [sflag:$0x2], $0x200, $0x38;
	[tilespmem:$0x18800] =	vst v63  }
0x195: {  	_ =	swait.ge [sflag:s14], $0x200  }
0x196: {  	[sflag:s14] =	ssyncset.done $0x0  }
0x197: {  	[sflag:s14] =	ssyncadd.s32 $0xFFFFFE00  }
0x198: {  	_ =	sfence.sel $0x180000  }
0x199: {  	[bflag:$0x0] =	sbarrier.arrive $0xFFFF  }
0x19a: {  	_ =	strace $0x90000047  }
0x19b: {  	s0 =	stileid.u32;
	[bflag:$0x2] =	sbarrier.arrive $0xFFFF  }
0x19c: {  	p0 =	sne.s32 s0, $0x0;
	s0 =	rddreg [dreg:$0x5]  }
0x19d: {  	s0 =	sadd.s32 @!p0 $0x100000, s0  }
0x19e: {  	[sflag:s0] =	ssyncadd.tile.s32 @!p0 $0x1;
	_ =	shalt  }
.Lfunc_end2:
_tile_overlayer_lowered:
.L_overlay_start_2:
0x19f: {  	(tag) =	ssettag $0x2  }
0x1a0: {  	s0 =	rddreg [dreg:$0x0];
	s2 =	stileid.u32  }
0x1a1: {  	s1 =	rddreg [dreg:$0x1];
	p0 =	sne.s32 s2, $0x0  }
0x1a2: {  	s3 =	rddreg [dreg:$0x2];
	[bflag:$0x3] =	sbarrier.arrive $0xFFFF;
	s2 =	simm.s32 @!p0 $0x1C02  }
0x1a3: {  	[timem:s3], [sflag:s2] =	dma.local @!p0 [hbm:s0], s1  }
0x1a4: {  	s0 =	simm.s32 @!p0 $0x2  }
0x1a5: {  	_ =	swait.ge @!p0 [sflag:s0], s1  }
0x1a6: {  	s1 =	ssub.s32 @!p0 $0x0, s1;
	[sflag:s0] =	ssyncset.done @!p0 $0x0  }
0x1a7: {  	[sflag:s0] =	ssyncadd.s32 @!p0 s1  }
0x1a8: {  	[bflag:$0x3] =	sbarrier.arrive $0xFFFF  }
0x1a9: {  	_ =	shalt  }

</sc_bundles>
